<compile_context>
chip_gen: v7x
topology: tpu7x:2x2x1
jax: 0.10.2.dev20260603
libtpu: 0.0.44.dev20260713+nightly
codegen_flags: <defaults>
</compile_context>

<pallas_src>
import functools

import jax
import jax.numpy as jnp
from jax import lax
from jax.experimental import pallas as pl
from jax.experimental.pallas import tpu as pltpu
from jax.experimental.pallas import tpu_sc as plsc

_N_TOKENS = 8192
_DIM = 2048
_NUM_EXPERT = 16
_TOP_K = 2
_BT = 1024

_NOISE_CACHE = None


def _noise():
    global _NOISE_CACHE
    if _NOISE_CACHE is None:
        _NOISE_CACHE = jax.random.normal(
            jax.random.key(42), (_N_TOKENS, _NUM_EXPERT), dtype=jnp.float32)
    return _NOISE_CACHE


def _logits_body(x_ref, wg_ref, wn_ref, bg_ref, bn_ref, noise_ref,
                 logits_ref):
    xb = x_ref[...]
    gate = lax.dot_general(
        xb, wg_ref[...], (((1,), (1,)), ((), ())),
        preferred_element_type=jnp.float32) + bg_ref[...]
    noisy = lax.dot_general(
        xb, wn_ref[...], (((1,), (1,)), ((), ())),
        preferred_element_type=jnp.float32) + bn_ref[...]
    logits_ref[...] = gate + noise_ref[...] + noisy


def _tc_logits(x, Wg, bg, Wn, bn, noise, n_tok, chunk=0):
    grid = (n_tok // _BT,)
    off = chunk * (n_tok // _BT)
    return pl.pallas_call(
        _logits_body,
        grid=grid,
        in_specs=[
            pl.BlockSpec((_BT, _DIM), lambda i: (i + off, 0)),
            pl.BlockSpec((_NUM_EXPERT, _DIM), lambda i: (0, 0)),
            pl.BlockSpec((_NUM_EXPERT, _DIM), lambda i: (0, 0)),
            pl.BlockSpec((1, _NUM_EXPERT), lambda i: (0, 0)),
            pl.BlockSpec((1, _NUM_EXPERT), lambda i: (0, 0)),
            pl.BlockSpec((_BT, _NUM_EXPERT), lambda i: (i + off, 0)),
        ],
        out_specs=pl.BlockSpec((_BT, _NUM_EXPERT), lambda i: (i, 0)),
        out_shape=jax.ShapeDtypeStruct((n_tok, _NUM_EXPERT),
                                       jnp.float32),
        compiler_params=pltpu.CompilerParams(
            dimension_semantics=("arbitrary",),
        ),
    )(x, Wg, Wn, bg.reshape(1, _NUM_EXPERT), bn.reshape(1, _NUM_EXPERT),
      noise)


def _fused_body(x_ref, wg_ref, wn_ref, bg_ref, bn_ref, noise_ref,
                scores_ref, ids_ref):
    xb = x_ref[...]
    gate = lax.dot_general(
        xb, wg_ref[...], (((1,), (1,)), ((), ())),
        preferred_element_type=jnp.float32) + bg_ref[...]
    noisy = lax.dot_general(
        xb, wn_ref[...], (((1,), (1,)), ((), ())),
        preferred_element_type=jnp.float32) + bn_ref[...]
    logits = gate + noise_ref[...] + noisy

    iota = lax.broadcasted_iota(jnp.int32, logits.shape, 1)
    neg_inf = jnp.float32(-jnp.inf)
    m1 = jnp.max(logits, axis=1, keepdims=True)
    i1 = jnp.min(jnp.where(logits == m1, iota, _NUM_EXPERT),
                 axis=1, keepdims=True)
    rest = jnp.where(iota == i1, neg_inf, logits)
    m2 = jnp.max(rest, axis=1, keepdims=True)
    i2 = jnp.min(jnp.where(rest == m2, iota, _NUM_EXPERT),
                 axis=1, keepdims=True)
    ed = jnp.exp(m2 - m1)
    p1 = 1.0 / (1.0 + ed)
    p2 = ed * p1
    scores_ref[...] = (jnp.where(iota == i1, p1, 0.0)
                       + jnp.where(iota == i2, p2, 0.0))
    ids_ref[...] = jnp.concatenate([i1, i2], axis=1)


def _tc_fused(x, Wg, bg, Wn, bn, noise, n_tok, chunk=0):
    grid = (n_tok // _BT,)
    off = chunk * (n_tok // _BT)
    return pl.pallas_call(
        _fused_body,
        grid=grid,
        in_specs=[
            pl.BlockSpec((_BT, _DIM), lambda i: (i + off, 0)),
            pl.BlockSpec((_NUM_EXPERT, _DIM), lambda i: (0, 0)),
            pl.BlockSpec((_NUM_EXPERT, _DIM), lambda i: (0, 0)),
            pl.BlockSpec((1, _NUM_EXPERT), lambda i: (0, 0)),
            pl.BlockSpec((1, _NUM_EXPERT), lambda i: (0, 0)),
            pl.BlockSpec((_BT, _NUM_EXPERT), lambda i: (i + off, 0)),
        ],
        out_specs=[
            pl.BlockSpec((_BT, _NUM_EXPERT), lambda i: (i, 0)),
            pl.BlockSpec((_BT, _TOP_K), lambda i: (i, 0)),
        ],
        out_shape=[
            jax.ShapeDtypeStruct((n_tok, _NUM_EXPERT), jnp.float32),
            jax.ShapeDtypeStruct((n_tok, _TOP_K), jnp.int32),
        ],
        compiler_params=pltpu.CompilerParams(
            dimension_semantics=("arbitrary",),
        ),
    )(x, Wg, Wn, bg.reshape(1, _NUM_EXPERT), bn.reshape(1, _NUM_EXPERT),
      noise)


def _sc_router_call(n_tok):
    mesh = plsc.VectorSubcoreMesh(core_axis_name="c", subcore_axis_name="s")
    info = plsc.get_sparse_core_info()
    nw = info.num_cores * info.num_subcores
    t_per_w = n_tok // nw
    n_groups = t_per_w // _NUM_EXPERT

    @functools.partial(
        pl.kernel,
        mesh=mesh,
        out_type=[
            jax.ShapeDtypeStruct((n_tok * _NUM_EXPERT,), jnp.float32),
            jax.ShapeDtypeStruct((n_tok * _TOP_K,), jnp.int32),
        ],
        scratch_types=[
            pltpu.VMEM((t_per_w * _NUM_EXPERT,), jnp.float32),
            pltpu.VMEM((t_per_w * _NUM_EXPERT,), jnp.float32),
            pltpu.VMEM((t_per_w * _TOP_K,), jnp.int32),
        ],
        compiler_params=pltpu.CompilerParams(needs_layout_passes=False),
    )
    def sc_router(logits_hbm, scores_hbm, ids_hbm, lv, sv, idv):
        wid = lax.axis_index("s") * info.num_cores + lax.axis_index("c")
        base = wid * (t_per_w * _NUM_EXPERT)
        pltpu.sync_copy(logits_hbm.at[pl.ds(base, t_per_w * _NUM_EXPERT)],
                        lv)

        lanes = lax.iota(jnp.int32, _NUM_EXPERT)
        neg_inf = jnp.full((_NUM_EXPERT,), -jnp.inf, jnp.float32)
        zeros_f = jnp.zeros((_NUM_EXPERT,), jnp.float32)
        zeros_i = jnp.zeros((_NUM_EXPERT,), jnp.int32)

        def group(g, carry):
            row0 = g * (_NUM_EXPERT * _NUM_EXPERT)
            flat0 = row0 + lanes * _NUM_EXPERT
            for j in range(_NUM_EXPERT):
                sv[pl.ds(row0 + j * _NUM_EXPERT, _NUM_EXPERT)] = zeros_f
            m1, m2 = neg_inf, neg_inf
            i1, i2 = zeros_i, zeros_i
            for e in range(_NUM_EXPERT):
                e_vec = jnp.full((_NUM_EXPERT,), e, jnp.int32)
                v = plsc.load_gather(lv, [flat0 + e])
                gt1 = v > m1
                gt2 = v > m2
                i2 = jnp.where(gt1, i1, jnp.where(gt2, e_vec, i2))
                m2 = jnp.where(gt1, m1, jnp.where(gt2, v, m2))
                i1 = jnp.where(gt1, e_vec, i1)
                m1 = jnp.where(gt1, v, m1)
            ed = jnp.exp(m2 - m1)
            p1 = 1.0 / (1.0 + ed)
            p2 = ed * p1
            plsc.store_scatter(sv, [flat0 + i1], p1)
            plsc.store_scatter(sv, [flat0 + i2], p2)
            pair0 = g * (_NUM_EXPERT * _TOP_K) + lanes * _TOP_K
            plsc.store_scatter(idv, [pair0], i1)
            plsc.store_scatter(idv, [pair0 + 1], i2)
            return carry

        lax.fori_loop(0, n_groups, group, 0)
        pltpu.sync_copy(sv, scores_hbm.at[pl.ds(base, t_per_w * _NUM_EXPERT)])
        pltpu.sync_copy(
            idv, ids_hbm.at[pl.ds(wid * t_per_w * _TOP_K, t_per_w * _TOP_K)])

    return sc_router


def kernel(x, Wg, bg, Wn, bn):
    noise = _noise()
    half = _N_TOKENS // 2
    la = _tc_logits(x, Wg, bg, Wn, bn, noise, half, 0)
    sa, ia = _sc_router_call(half)(la.reshape(-1))
    sb, ib = _tc_fused(x, Wg, bg, Wn, bn, noise, half, 1)
    scores = jnp.concatenate(
        [sa.reshape(half, _NUM_EXPERT), sb])
    ids = jnp.concatenate(
        [ia.reshape(half, _TOP_K), ib])
    return scores, ids

# --- scband reference (transcript-rebuilt; emitter-appended) ---
"""Pipeline reference for scband-noise-router-71141838291439 (READ-ONLY COPY).

The authoritative reference and input builder live on the scoring server;
editing this copy changes nothing except your own understanding.
"""

import jax, jax.numpy as jnp
import numpy as np

N_TOKENS = 8192
DIM = 2048
NUM_EXPERT = 16
TOP_K = 2


def setup_inputs(seed: int = 0) -> dict:
    key = jax.random.key(seed)
    k1, k2, k3 = jax.random.split(key, 3)
    x = jax.random.normal(k1, (N_TOKENS, DIM), dtype=jnp.float32)
    # nn.Linear(dim, num_expert): weight [num_expert, dim], bias [num_expert]
    Wg = jax.random.normal(k2, (NUM_EXPERT, DIM), dtype=jnp.float32) * 0.02
    bg = jnp.zeros((NUM_EXPERT,), dtype=jnp.float32)
    Wn = jax.random.normal(k3, (NUM_EXPERT, DIM), dtype=jnp.float32) * 0.02
    bn = jnp.zeros((NUM_EXPERT,), dtype=jnp.float32)
    return {"x": x, "Wg": Wg, "bg": bg, "Wn": Wn, "bn": bn}


def reference(x, Wg, bg, Wn, bn):
    gate = x @ Wg.T + bg
    # torch.randn_like(gate) -> deterministic jax noise with a fixed key
    noise = jax.random.normal(jax.random.key(42), gate.shape, dtype=gate.dtype)
    logits = gate + noise + (x @ Wn.T + bn)
    top_k_val, top_k_ids = jax.lax.top_k(logits, TOP_K)
    scores = jnp.full_like(logits, -jnp.inf)
    rows = jnp.arange(logits.shape[0])[:, None]
    scores = scores.at[rows, top_k_ids].set(top_k_val)
    scores = jax.nn.softmax(scores, axis=-1)
    return scores, top_k_ids

if __name__ == "__main__":
    import jax
    _d = setup_inputs()
    print(jax.jit(kernel)(*tuple(_d.values())))

</pallas_src>

<mosaic_0001>
#map = affine_map<(d0, d1) -> (0)>
module attributes {stable_mosaic.version = 14 : i64} {
  func.func @sc_router(%arg0: i32, %arg1: i32, %arg2: memref<65536xf32, #tpu.memory_space<hbm>>, %arg3: memref<65536xf32, #tpu.memory_space<hbm>>, %arg4: memref<8192xi32, #tpu.memory_space<hbm>>, %arg5: memref<2048xf32, #tpu.memory_space<vmem>>, %arg6: memref<2048xf32, #tpu.memory_space<vmem>>, %arg7: memref<256xi32, #tpu.memory_space<vmem>>) attributes {dimension_semantics = [#tpu.dimension_semantics<core_parallel>, #tpu.dimension_semantics<subcore_parallel>], iteration_bounds = array<i64: 2, 16>, scalar_prefetch = 0 : i64, scratch_operands = 3 : i64, tpu.core_type = #tpu.core_type<sc_vector_subcore>, window_params = [{transform_indices = #map}, {transform_indices = #map}, {transform_indices = #map}]} {
    %mul3A = arith.constant 2 : i32
    %mul3A_0 = arith.muli %arg1, %mul3A : i32
    %add3A = arith.addi %mul3A_0, %arg0 : i32
    %mul3A_1 = arith.constant 2048 : i32
    %mul3A_2 = arith.muli %add3A, %mul3A_1 : i32
    "tpu.region"() ({
      %run_scoped3A = tpu.sem_alloc : memref<!tpu.dma_semaphore, #tpu.memory_space<semaphore_mem>>
      %dma_start3A = tpu.memref_slice %arg2[%mul3A_2] : memref<65536xf32, #tpu.memory_space<hbm>> -> memref<2048xf32, #tpu.memory_space<hbm>>
      %dma_start3A_17 = tpu.memref_slice %arg2[%mul3A_2] : memref<65536xf32, #tpu.memory_space<hbm>> -> memref<2048xf32, #tpu.memory_space<hbm>>
      tpu.enqueue_dma source(%dma_start3A_17 : memref<2048xf32, #tpu.memory_space<hbm>>) target(%arg5 : memref<2048xf32, #tpu.memory_space<vmem>>) target_semaphore(%run_scoped3A : memref<!tpu.dma_semaphore, #tpu.memory_space<semaphore_mem>>)
      %dma_wait3A = tpu.memref_slice %arg2[%mul3A_2] : memref<65536xf32, #tpu.memory_space<hbm>> -> memref<2048xf32, #tpu.memory_space<hbm>>
      %dma_wait3A_18 = tpu.memref_slice %arg2[%mul3A_2] : memref<65536xf32, #tpu.memory_space<hbm>> -> memref<2048xf32, #tpu.memory_space<hbm>>
      tpu.wait_dma2 semaphore(%run_scoped3A : memref<!tpu.dma_semaphore, #tpu.memory_space<semaphore_mem>>) src(%dma_wait3A_18 : memref<2048xf32, #tpu.memory_space<hbm>>) dst(%arg5 : memref<2048xf32, #tpu.memory_space<vmem>>)
      tpu.yield
    }) : () -> ()
    %iota3A = tpu.iota {dimensions = array<i32: 0>} : vector<16xi32>
    %broadcast_in_dim3A = arith.constant 0xFF800000 : f32
    %broadcast_in_dim3A_3 = vector.broadcast %broadcast_in_dim3A : f32 to vector<16xf32>
    %broadcast_in_dim3A_4 = arith.constant 0.000000e+00 : f32
    %broadcast_in_dim3A_5 = vector.broadcast %broadcast_in_dim3A_4 : f32 to vector<16xf32>
    %broadcast_in_dim3A_6 = arith.constant 0 : i32
    %broadcast_in_dim3A_7 = vector.broadcast %broadcast_in_dim3A_6 : i32 to vector<16xi32>
    %scan3A = arith.constant 0 : i32
    %scan3A_8 = arith.constant 0 : i32
    %scan3A_9 = arith.constant 8 : i32
    %scan3A_10 = arith.addi %scan3A_8, %scan3A_9 : i32
    %scan3A_11 = arith.constant 1 : i32
    scf.for %scan3A_17 = %scan3A_8 to %scan3A_10 step %scan3A_11  : i32 {
      %mul3A_18 = arith.constant 256 : i32
      %mul3A_19 = arith.muli %scan3A_17, %mul3A_18 : i32
      %mul3A_20 = arith.constant 16 : i32
      %mul3A_21 = vector.broadcast %mul3A_20 : i32 to vector<16xi32>
      %mul3A_22 = arith.muli %iota3A, %mul3A_21 : vector<16xi32>
      %add3A_23 = vector.broadcast %mul3A_19 : i32 to vector<16xi32>
      %add3A_24 = arith.addi %add3A_23, %mul3A_22 : vector<16xi32>
      %add3A_25 = arith.constant 0 : i32
      %add3A_26 = arith.addi %mul3A_19, %add3A_25 : i32
      %swap3A = arith.index_cast %add3A_26 : i32 to index
      %swap3A_27 = tpu.vector_load %arg6[%swap3A] {strides = array<i32>} : memref<2048xf32, #tpu.memory_space<vmem>>, vector<16xf32>,
      tpu.vector_store %arg6[%swap3A], %broadcast_in_dim3A_5 {strides = array<i32>} : memref<2048xf32, #tpu.memory_space<vmem>>, vector<16xf32>,
      %add3A_28 = arith.constant 16 : i32
      %add3A_29 = arith.addi %mul3A_19, %add3A_28 : i32
      %swap3A_30 = arith.index_cast %add3A_29 : i32 to index
      %swap3A_31 = tpu.vector_load %arg6[%swap3A_30] {strides = array<i32>} : memref<2048xf32, #tpu.memory_space<vmem>>, vector<16xf32>,
      tpu.vector_store %arg6[%swap3A_30], %broadcast_in_dim3A_5 {strides = array<i32>} : memref<2048xf32, #tpu.memory_space<vmem>>, vector<16xf32>,
      %add3A_32 = arith.constant 32 : i32
      %add3A_33 = arith.addi %mul3A_19, %add3A_32 : i32
      %swap3A_34 = arith.index_cast %add3A_33 : i32 to index
      %swap3A_35 = tpu.vector_load %arg6[%swap3A_34] {strides = array<i32>} : memref<2048xf32, #tpu.memory_space<vmem>>, vector<16xf32>,
      tpu.vector_store %arg6[%swap3A_34], %broadcast_in_dim3A_5 {strides = array<i32>} : memref<2048xf32, #tpu.memory_space<vmem>>, vector<16xf32>,
      %add3A_36 = arith.constant 48 : i32
      %add3A_37 = arith.addi %mul3A_19, %add3A_36 : i32
      %swap3A_38 = arith.index_cast %add3A_37 : i32 to index
      %swap3A_39 = tpu.vector_load %arg6[%swap3A_38] {strides = array<i32>} : memref<2048xf32, #tpu.memory_space<vmem>>, vector<16xf32>,
      tpu.vector_store %arg6[%swap3A_38], %broadcast_in_dim3A_5 {strides = array<i32>} : memref<2048xf32, #tpu.memory_space<vmem>>, vector<16xf32>,
      %add3A_40 = arith.constant 64 : i32
      %add3A_41 = arith.addi %mul3A_19, %add3A_40 : i32
      %swap3A_42 = arith.index_cast %add3A_41 : i32 to index
      %swap3A_43 = tpu.vector_load %arg6[%swap3A_42] {strides = array<i32>} : memref<2048xf32, #tpu.memory_space<vmem>>, vector<16xf32>,
      tpu.vector_store %arg6[%swap3A_42], %broadcast_in_dim3A_5 {strides = array<i32>} : memref<2048xf32, #tpu.memory_space<vmem>>, vector<16xf32>,
      %add3A_44 = arith.constant 80 : i32
      %add3A_45 = arith.addi %mul3A_19, %add3A_44 : i32
      %swap3A_46 = arith.index_cast %add3A_45 : i32 to index
      %swap3A_47 = tpu.vector_load %arg6[%swap3A_46] {strides = array<i32>} : memref<2048xf32, #tpu.memory_space<vmem>>, vector<16xf32>,
      tpu.vector_store %arg6[%swap3A_46], %broadcast_in_dim3A_5 {strides = array<i32>} : memref<2048xf32, #tpu.memory_space<vmem>>, vector<16xf32>,
      %add3A_48 = arith.constant 96 : i32
      %add3A_49 = arith.addi %mul3A_19, %add3A_48 : i32
      %swap3A_50 = arith.index_cast %add3A_49 : i32 to index
      %swap3A_51 = tpu.vector_load %arg6[%swap3A_50] {strides = array<i32>} : memref<2048xf32, #tpu.memory_space<vmem>>, vector<16xf32>,
      tpu.vector_store %arg6[%swap3A_50], %broadcast_in_dim3A_5 {strides = array<i32>} : memref<2048xf32, #tpu.memory_space<vmem>>, vector<16xf32>,
      %add3A_52 = arith.constant 112 : i32
      %add3A_53 = arith.addi %mul3A_19, %add3A_52 : i32
      %swap3A_54 = arith.index_cast %add3A_53 : i32 to index
      %swap3A_55 = tpu.vector_load %arg6[%swap3A_54] {strides = array<i32>} : memref<2048xf32, #tpu.memory_space<vmem>>, vector<16xf32>,
      tpu.vector_store %arg6[%swap3A_54], %broadcast_in_dim3A_5 {strides = array<i32>} : memref<2048xf32, #tpu.memory_space<vmem>>, vector<16xf32>,
      %add3A_56 = arith.constant 128 : i32
      %add3A_57 = arith.addi %mul3A_19, %add3A_56 : i32
      %swap3A_58 = arith.index_cast %add3A_57 : i32 to index
      %swap3A_59 = tpu.vector_load %arg6[%swap3A_58] {strides = array<i32>} : memref<2048xf32, #tpu.memory_space<vmem>>, vector<16xf32>,
      tpu.vector_store %arg6[%swap3A_58], %broadcast_in_dim3A_5 {strides = array<i32>} : memref<2048xf32, #tpu.memory_space<vmem>>, vector<16xf32>,
      %add3A_60 = arith.constant 144 : i32
      %add3A_61 = arith.addi %mul3A_19, %add3A_60 : i32
      %swap3A_62 = arith.index_cast %add3A_61 : i32 to index
      %swap3A_63 = tpu.vector_load %arg6[%swap3A_62] {strides = array<i32>} : memref<2048xf32, #tpu.memory_space<vmem>>, vector<16xf32>,
      tpu.vector_store %arg6[%swap3A_62], %broadcast_in_dim3A_5 {strides = array<i32>} : memref<2048xf32, #tpu.memory_space<vmem>>, vector<16xf32>,
      %add3A_64 = arith.constant 160 : i32
      %add3A_65 = arith.addi %mul3A_19, %add3A_64 : i32
      %swap3A_66 = arith.index_cast %add3A_65 : i32 to index
      %swap3A_67 = tpu.vector_load %arg6[%swap3A_66] {strides = array<i32>} : memref<2048xf32, #tpu.memory_space<vmem>>, vector<16xf32>,
      tpu.vector_store %arg6[%swap3A_66], %broadcast_in_dim3A_5 {strides = array<i32>} : memref<2048xf32, #tpu.memory_space<vmem>>, vector<16xf32>,
      %add3A_68 = arith.constant 176 : i32
      %add3A_69 = arith.addi %mul3A_19, %add3A_68 : i32
      %swap3A_70 = arith.index_cast %add3A_69 : i32 to index
      %swap3A_71 = tpu.vector_load %arg6[%swap3A_70] {strides = array<i32>} : memref<2048xf32, #tpu.memory_space<vmem>>, vector<16xf32>,
      tpu.vector_store %arg6[%swap3A_70], %broadcast_in_dim3A_5 {strides = array<i32>} : memref<2048xf32, #tpu.memory_space<vmem>>, vector<16xf32>,
      %add3A_72 = arith.constant 192 : i32
      %add3A_73 = arith.addi %mul3A_19, %add3A_72 : i32
      %swap3A_74 = arith.index_cast %add3A_73 : i32 to index
      %swap3A_75 = tpu.vector_load %arg6[%swap3A_74] {strides = array<i32>} : memref<2048xf32, #tpu.memory_space<vmem>>, vector<16xf32>,
      tpu.vector_store %arg6[%swap3A_74], %broadcast_in_dim3A_5 {strides = array<i32>} : memref<2048xf32, #tpu.memory_space<vmem>>, vector<16xf32>,
      %add3A_76 = arith.constant 208 : i32
      %add3A_77 = arith.addi %mul3A_19, %add3A_76 : i32
      %swap3A_78 = arith.index_cast %add3A_77 : i32 to index
      %swap3A_79 = tpu.vector_load %arg6[%swap3A_78] {strides = array<i32>} : memref<2048xf32, #tpu.memory_space<vmem>>, vector<16xf32>,
      tpu.vector_store %arg6[%swap3A_78], %broadcast_in_dim3A_5 {strides = array<i32>} : memref<2048xf32, #tpu.memory_space<vmem>>, vector<16xf32>,
      %add3A_80 = arith.constant 224 : i32
      %add3A_81 = arith.addi %mul3A_19, %add3A_80 : i32
      %swap3A_82 = arith.index_cast %add3A_81 : i32 to index
      %swap3A_83 = tpu.vector_load %arg6[%swap3A_82] {strides = array<i32>} : memref<2048xf32, #tpu.memory_space<vmem>>, vector<16xf32>,
      tpu.vector_store %arg6[%swap3A_82], %broadcast_in_dim3A_5 {strides = array<i32>} : memref<2048xf32, #tpu.memory_space<vmem>>, vector<16xf32>,
      %add3A_84 = arith.constant 240 : i32
      %add3A_85 = arith.addi %mul3A_19, %add3A_84 : i32
      %swap3A_86 = arith.index_cast %add3A_85 : i32 to index
      %swap3A_87 = tpu.vector_load %arg6[%swap3A_86] {strides = array<i32>} : memref<2048xf32, #tpu.memory_space<vmem>>, vector<16xf32>,
      tpu.vector_store %arg6[%swap3A_86], %broadcast_in_dim3A_5 {strides = array<i32>} : memref<2048xf32, #tpu.memory_space<vmem>>, vector<16xf32>,
      %broadcast_in_dim3A_88 = arith.constant 0 : i32
      %broadcast_in_dim3A_89 = vector.broadcast %broadcast_in_dim3A_88 : i32 to vector<16xi32>
      %add3A_90 = arith.constant 0 : i32
      %add3A_91 = vector.broadcast %add3A_90 : i32 to vector<16xi32>
      %add3A_92 = arith.addi %add3A_24, %add3A_91 : vector<16xi32>
      %gather3A = tpu.vector_load_idx %arg5[%add3A_92] : memref<2048xf32, #tpu.memory_space<vmem>>[vector<16xi32>], vector<16xf32>,
      %gt3A = arith.cmpf ogt, %gather3A, %broadcast_in_dim3A_3 : vector<16xf32>
      %gt3A_93 = arith.cmpf ogt, %gather3A, %broadcast_in_dim3A_3 : vector<16xf32>
      %select_n3A = arith.select %gt3A_93, %broadcast_in_dim3A_89, %broadcast_in_dim3A_7 : vector<16xi1>, vector<16xi32>
      %select_n3A_94 = arith.select %gt3A, %broadcast_in_dim3A_7, %select_n3A : vector<16xi1>, vector<16xi32>
      %select_n3A_95 = arith.select %gt3A_93, %gather3A, %broadcast_in_dim3A_3 : vector<16xi1>, vector<16xf32>
      %select_n3A_96 = arith.select %gt3A, %broadcast_in_dim3A_3, %select_n3A_95 : vector<16xi1>, vector<16xf32>
      %select_n3A_97 = arith.select %gt3A, %broadcast_in_dim3A_89, %broadcast_in_dim3A_7 : vector<16xi1>, vector<16xi32>
      %select_n3A_98 = arith.select %gt3A, %gather3A, %broadcast_in_dim3A_3 : vector<16xi1>, vector<16xf32>
      %broadcast_in_dim3A_99 = arith.constant 1 : i32
      %broadcast_in_dim3A_100 = vector.broadcast %broadcast_in_dim3A_99 : i32 to vector<16xi32>
      %add3A_101 = arith.constant 1 : i32
      %add3A_102 = vector.broadcast %add3A_101 : i32 to vector<16xi32>
      %add3A_103 = arith.addi %add3A_24, %add3A_102 : vector<16xi32>
      %gather3A_104 = tpu.vector_load_idx %arg5[%add3A_103] : memref<2048xf32, #tpu.memory_space<vmem>>[vector<16xi32>], vector<16xf32>,
      %gt3A_105 = arith.cmpf ogt, %gather3A_104, %select_n3A_98 : vector<16xf32>
      %gt3A_106 = arith.cmpf ogt, %gather3A_104, %select_n3A_96 : vector<16xf32>
      %select_n3A_107 = arith.select %gt3A_106, %broadcast_in_dim3A_100, %select_n3A_94 : vector<16xi1>, vector<16xi32>
      %select_n3A_108 = arith.select %gt3A_105, %select_n3A_97, %select_n3A_107 : vector<16xi1>, vector<16xi32>
      %select_n3A_109 = arith.select %gt3A_106, %gather3A_104, %select_n3A_96 : vector<16xi1>, vector<16xf32>
      %select_n3A_110 = arith.select %gt3A_105, %select_n3A_98, %select_n3A_109 : vector<16xi1>, vector<16xf32>
      %select_n3A_111 = arith.select %gt3A_105, %broadcast_in_dim3A_100, %select_n3A_97 : vector<16xi1>, vector<16xi32>
      %select_n3A_112 = arith.select %gt3A_105, %gather3A_104, %select_n3A_98 : vector<16xi1>, vector<16xf32>
      %broadcast_in_dim3A_113 = arith.constant 2 : i32
      %broadcast_in_dim3A_114 = vector.broadcast %broadcast_in_dim3A_113 : i32 to vector<16xi32>
      %add3A_115 = arith.constant 2 : i32
      %add3A_116 = vector.broadcast %add3A_115 : i32 to vector<16xi32>
      %add3A_117 = arith.addi %add3A_24, %add3A_116 : vector<16xi32>
      %gather3A_118 = tpu.vector_load_idx %arg5[%add3A_117] : memref<2048xf32, #tpu.memory_space<vmem>>[vector<16xi32>], vector<16xf32>,
      %gt3A_119 = arith.cmpf ogt, %gather3A_118, %select_n3A_112 : vector<16xf32>
      %gt3A_120 = arith.cmpf ogt, %gather3A_118, %select_n3A_110 : vector<16xf32>
      %select_n3A_121 = arith.select %gt3A_120, %broadcast_in_dim3A_114, %select_n3A_108 : vector<16xi1>, vector<16xi32>
      %select_n3A_122 = arith.select %gt3A_119, %select_n3A_111, %select_n3A_121 : vector<16xi1>, vector<16xi32>
      %select_n3A_123 = arith.select %gt3A_120, %gather3A_118, %select_n3A_110 : vector<16xi1>, vector<16xf32>
      %select_n3A_124 = arith.select %gt3A_119, %select_n3A_112, %select_n3A_123 : vector<16xi1>, vector<16xf32>
      %select_n3A_125 = arith.select %gt3A_119, %broadcast_in_dim3A_114, %select_n3A_111 : vector<16xi1>, vector<16xi32>
      %select_n3A_126 = arith.select %gt3A_119, %gather3A_118, %select_n3A_112 : vector<16xi1>, vector<16xf32>
      %broadcast_in_dim3A_127 = arith.constant 3 : i32
      %broadcast_in_dim3A_128 = vector.broadcast %broadcast_in_dim3A_127 : i32 to vector<16xi32>
      %add3A_129 = arith.constant 3 : i32
      %add3A_130 = vector.broadcast %add3A_129 : i32 to vector<16xi32>
      %add3A_131 = arith.addi %add3A_24, %add3A_130 : vector<16xi32>
      %gather3A_132 = tpu.vector_load_idx %arg5[%add3A_131] : memref<2048xf32, #tpu.memory_space<vmem>>[vector<16xi32>], vector<16xf32>,
      %gt3A_133 = arith.cmpf ogt, %gather3A_132, %select_n3A_126 : vector<16xf32>
      %gt3A_134 = arith.cmpf ogt, %gather3A_132, %select_n3A_124 : vector<16xf32>
      %select_n3A_135 = arith.select %gt3A_134, %broadcast_in_dim3A_128, %select_n3A_122 : vector<16xi1>, vector<16xi32>
      %select_n3A_136 = arith.select %gt3A_133, %select_n3A_125, %select_n3A_135 : vector<16xi1>, vector<16xi32>
      %select_n3A_137 = arith.select %gt3A_134, %gather3A_132, %select_n3A_124 : vector<16xi1>, vector<16xf32>
      %select_n3A_138 = arith.select %gt3A_133, %select_n3A_126, %select_n3A_137 : vector<16xi1>, vector<16xf32>
      %select_n3A_139 = arith.select %gt3A_133, %broadcast_in_dim3A_128, %select_n3A_125 : vector<16xi1>, vector<16xi32>
      %select_n3A_140 = arith.select %gt3A_133, %gather3A_132, %select_n3A_126 : vector<16xi1>, vector<16xf32>
      %broadcast_in_dim3A_141 = arith.constant 4 : i32
      %broadcast_in_dim3A_142 = vector.broadcast %broadcast_in_dim3A_141 : i32 to vector<16xi32>
      %add3A_143 = arith.constant 4 : i32
      %add3A_144 = vector.broadcast %add3A_143 : i32 to vector<16xi32>
      %add3A_145 = arith.addi %add3A_24, %add3A_144 : vector<16xi32>
      %gather3A_146 = tpu.vector_load_idx %arg5[%add3A_145] : memref<2048xf32, #tpu.memory_space<vmem>>[vector<16xi32>], vector<16xf32>,
      %gt3A_147 = arith.cmpf ogt, %gather3A_146, %select_n3A_140 : vector<16xf32>
      %gt3A_148 = arith.cmpf ogt, %gather3A_146, %select_n3A_138 : vector<16xf32>
      %select_n3A_149 = arith.select %gt3A_148, %broadcast_in_dim3A_142, %select_n3A_136 : vector<16xi1>, vector<16xi32>
      %select_n3A_150 = arith.select %gt3A_147, %select_n3A_139, %select_n3A_149 : vector<16xi1>, vector<16xi32>
      %select_n3A_151 = arith.select %gt3A_148, %gather3A_146, %select_n3A_138 : vector<16xi1>, vector<16xf32>
      %select_n3A_152 = arith.select %gt3A_147, %select_n3A_140, %select_n3A_151 : vector<16xi1>, vector<16xf32>
      %select_n3A_153 = arith.select %gt3A_147, %broadcast_in_dim3A_142, %select_n3A_139 : vector<16xi1>, vector<16xi32>
      %select_n3A_154 = arith.select %gt3A_147, %gather3A_146, %select_n3A_140 : vector<16xi1>, vector<16xf32>
      %broadcast_in_dim3A_155 = arith.constant 5 : i32
      %broadcast_in_dim3A_156 = vector.broadcast %broadcast_in_dim3A_155 : i32 to vector<16xi32>
      %add3A_157 = arith.constant 5 : i32
      %add3A_158 = vector.broadcast %add3A_157 : i32 to vector<16xi32>
      %add3A_159 = arith.addi %add3A_24, %add3A_158 : vector<16xi32>
      %gather3A_160 = tpu.vector_load_idx %arg5[%add3A_159] : memref<2048xf32, #tpu.memory_space<vmem>>[vector<16xi32>], vector<16xf32>,
      %gt3A_161 = arith.cmpf ogt, %gather3A_160, %select_n3A_154 : vector<16xf32>
      %gt3A_162 = arith.cmpf ogt, %gather3A_160, %select_n3A_152 : vector<16xf32>
      %select_n3A_163 = arith.select %gt3A_162, %broadcast_in_dim3A_156, %select_n3A_150 : vector<16xi1>, vector<16xi32>
      %select_n3A_164 = arith.select %gt3A_161, %select_n3A_153, %select_n3A_163 : vector<16xi1>, vector<16xi32>
      %select_n3A_165 = arith.select %gt3A_162, %gather3A_160, %select_n3A_152 : vector<16xi1>, vector<16xf32>
      %select_n3A_166 = arith.select %gt3A_161, %select_n3A_154, %select_n3A_165 : vector<16xi1>, vector<16xf32>
      %select_n3A_167 = arith.select %gt3A_161, %broadcast_in_dim3A_156, %select_n3A_153 : vector<16xi1>, vector<16xi32>
      %select_n3A_168 = arith.select %gt3A_161, %gather3A_160, %select_n3A_154 : vector<16xi1>, vector<16xf32>
      %broadcast_in_dim3A_169 = arith.constant 6 : i32
      %broadcast_in_dim3A_170 = vector.broadcast %broadcast_in_dim3A_169 : i32 to vector<16xi32>
      %add3A_171 = arith.constant 6 : i32
      %add3A_172 = vector.broadcast %add3A_171 : i32 to vector<16xi32>
      %add3A_173 = arith.addi %add3A_24, %add3A_172 : vector<16xi32>
      %gather3A_174 = tpu.vector_load_idx %arg5[%add3A_173] : memref<2048xf32, #tpu.memory_space<vmem>>[vector<16xi32>], vector<16xf32>,
      %gt3A_175 = arith.cmpf ogt, %gather3A_174, %select_n3A_168 : vector<16xf32>
      %gt3A_176 = arith.cmpf ogt, %gather3A_174, %select_n3A_166 : vector<16xf32>
      %select_n3A_177 = arith.select %gt3A_176, %broadcast_in_dim3A_170, %select_n3A_164 : vector<16xi1>, vector<16xi32>
      %select_n3A_178 = arith.select %gt3A_175, %select_n3A_167, %select_n3A_177 : vector<16xi1>, vector<16xi32>
      %select_n3A_179 = arith.select %gt3A_176, %gather3A_174, %select_n3A_166 : vector<16xi1>, vector<16xf32>
      %select_n3A_180 = arith.select %gt3A_175, %select_n3A_168, %select_n3A_179 : vector<16xi1>, vector<16xf32>
      %select_n3A_181 = arith.select %gt3A_175, %broadcast_in_dim3A_170, %select_n3A_167 : vector<16xi1>, vector<16xi32>
      %select_n3A_182 = arith.select %gt3A_175, %gather3A_174, %select_n3A_168 : vector<16xi1>, vector<16xf32>
      %broadcast_in_dim3A_183 = arith.constant 7 : i32
      %broadcast_in_dim3A_184 = vector.broadcast %broadcast_in_dim3A_183 : i32 to vector<16xi32>
      %add3A_185 = arith.constant 7 : i32
      %add3A_186 = vector.broadcast %add3A_185 : i32 to vector<16xi32>
      %add3A_187 = arith.addi %add3A_24, %add3A_186 : vector<16xi32>
      %gather3A_188 = tpu.vector_load_idx %arg5[%add3A_187] : memref<2048xf32, #tpu.memory_space<vmem>>[vector<16xi32>], vector<16xf32>,
      %gt3A_189 = arith.cmpf ogt, %gather3A_188, %select_n3A_182 : vector<16xf32>
      %gt3A_190 = arith.cmpf ogt, %gather3A_188, %select_n3A_180 : vector<16xf32>
      %select_n3A_191 = arith.select %gt3A_190, %broadcast_in_dim3A_184, %select_n3A_178 : vector<16xi1>, vector<16xi32>
      %select_n3A_192 = arith.select %gt3A_189, %select_n3A_181, %select_n3A_191 : vector<16xi1>, vector<16xi32>
      %select_n3A_193 = arith.select %gt3A_190, %gather3A_188, %select_n3A_180 : vector<16xi1>, vector<16xf32>
      %select_n3A_194 = arith.select %gt3A_189, %select_n3A_182, %select_n3A_193 : vector<16xi1>, vector<16xf32>
      %select_n3A_195 = arith.select %gt3A_189, %broadcast_in_dim3A_184, %select_n3A_181 : vector<16xi1>, vector<16xi32>
      %select_n3A_196 = arith.select %gt3A_189, %gather3A_188, %select_n3A_182 : vector<16xi1>, vector<16xf32>
      %broadcast_in_dim3A_197 = arith.constant 8 : i32
      %broadcast_in_dim3A_198 = vector.broadcast %broadcast_in_dim3A_197 : i32 to vector<16xi32>
      %add3A_199 = arith.constant 8 : i32
      %add3A_200 = vector.broadcast %add3A_199 : i32 to vector<16xi32>
      %add3A_201 = arith.addi %add3A_24, %add3A_200 : vector<16xi32>
      %gather3A_202 = tpu.vector_load_idx %arg5[%add3A_201] : memref<2048xf32, #tpu.memory_space<vmem>>[vector<16xi32>], vector<16xf32>,
      %gt3A_203 = arith.cmpf ogt, %gather3A_202, %select_n3A_196 : vector<16xf32>
      %gt3A_204 = arith.cmpf ogt, %gather3A_202, %select_n3A_194 : vector<16xf32>
      %select_n3A_205 = arith.select %gt3A_204, %broadcast_in_dim3A_198, %select_n3A_192 : vector<16xi1>, vector<16xi32>
      %select_n3A_206 = arith.select %gt3A_203, %select_n3A_195, %select_n3A_205 : vector<16xi1>, vector<16xi32>
      %select_n3A_207 = arith.select %gt3A_204, %gather3A_202, %select_n3A_194 : vector<16xi1>, vector<16xf32>
      %select_n3A_208 = arith.select %gt3A_203, %select_n3A_196, %select_n3A_207 : vector<16xi1>, vector<16xf32>
      %select_n3A_209 = arith.select %gt3A_203, %broadcast_in_dim3A_198, %select_n3A_195 : vector<16xi1>, vector<16xi32>
      %select_n3A_210 = arith.select %gt3A_203, %gather3A_202, %select_n3A_196 : vector<16xi1>, vector<16xf32>
      %broadcast_in_dim3A_211 = arith.constant 9 : i32
      %broadcast_in_dim3A_212 = vector.broadcast %broadcast_in_dim3A_211 : i32 to vector<16xi32>
      %add3A_213 = arith.constant 9 : i32
      %add3A_214 = vector.broadcast %add3A_213 : i32 to vector<16xi32>
      %add3A_215 = arith.addi %add3A_24, %add3A_214 : vector<16xi32>
      %gather3A_216 = tpu.vector_load_idx %arg5[%add3A_215] : memref<2048xf32, #tpu.memory_space<vmem>>[vector<16xi32>], vector<16xf32>,
      %gt3A_217 = arith.cmpf ogt, %gather3A_216, %select_n3A_210 : vector<16xf32>
      %gt3A_218 = arith.cmpf ogt, %gather3A_216, %select_n3A_208 : vector<16xf32>
      %select_n3A_219 = arith.select %gt3A_218, %broadcast_in_dim3A_212, %select_n3A_206 : vector<16xi1>, vector<16xi32>
      %select_n3A_220 = arith.select %gt3A_217, %select_n3A_209, %select_n3A_219 : vector<16xi1>, vector<16xi32>
      %select_n3A_221 = arith.select %gt3A_218, %gather3A_216, %select_n3A_208 : vector<16xi1>, vector<16xf32>
      %select_n3A_222 = arith.select %gt3A_217, %select_n3A_210, %select_n3A_221 : vector<16xi1>, vector<16xf32>
      %select_n3A_223 = arith.select %gt3A_217, %broadcast_in_dim3A_212, %select_n3A_209 : vector<16xi1>, vector<16xi32>
      %select_n3A_224 = arith.select %gt3A_217, %gather3A_216, %select_n3A_210 : vector<16xi1>, vector<16xf32>
      %broadcast_in_dim3A_225 = arith.constant 10 : i32
      %broadcast_in_dim3A_226 = vector.broadcast %broadcast_in_dim3A_225 : i32 to vector<16xi32>
      %add3A_227 = arith.constant 10 : i32
      %add3A_228 = vector.broadcast %add3A_227 : i32 to vector<16xi32>
      %add3A_229 = arith.addi %add3A_24, %add3A_228 : vector<16xi32>
      %gather3A_230 = tpu.vector_load_idx %arg5[%add3A_229] : memref<2048xf32, #tpu.memory_space<vmem>>[vector<16xi32>], vector<16xf32>,
      %gt3A_231 = arith.cmpf ogt, %gather3A_230, %select_n3A_224 : vector<16xf32>
      %gt3A_232 = arith.cmpf ogt, %gather3A_230, %select_n3A_222 : vector<16xf32>
      %select_n3A_233 = arith.select %gt3A_232, %broadcast_in_dim3A_226, %select_n3A_220 : vector<16xi1>, vector<16xi32>
      %select_n3A_234 = arith.select %gt3A_231, %select_n3A_223, %select_n3A_233 : vector<16xi1>, vector<16xi32>
      %select_n3A_235 = arith.select %gt3A_232, %gather3A_230, %select_n3A_222 : vector<16xi1>, vector<16xf32>
      %select_n3A_236 = arith.select %gt3A_231, %select_n3A_224, %select_n3A_235 : vector<16xi1>, vector<16xf32>
      %select_n3A_237 = arith.select %gt3A_231, %broadcast_in_dim3A_226, %select_n3A_223 : vector<16xi1>, vector<16xi32>
      %select_n3A_238 = arith.select %gt3A_231, %gather3A_230, %select_n3A_224 : vector<16xi1>, vector<16xf32>
      %broadcast_in_dim3A_239 = arith.constant 11 : i32
      %broadcast_in_dim3A_240 = vector.broadcast %broadcast_in_dim3A_239 : i32 to vector<16xi32>
      %add3A_241 = arith.constant 11 : i32
      %add3A_242 = vector.broadcast %add3A_241 : i32 to vector<16xi32>
      %add3A_243 = arith.addi %add3A_24, %add3A_242 : vector<16xi32>
      %gather3A_244 = tpu.vector_load_idx %arg5[%add3A_243] : memref<2048xf32, #tpu.memory_space<vmem>>[vector<16xi32>], vector<16xf32>,
      %gt3A_245 = arith.cmpf ogt, %gather3A_244, %select_n3A_238 : vector<16xf32>
      %gt3A_246 = arith.cmpf ogt, %gather3A_244, %select_n3A_236 : vector<16xf32>
      %select_n3A_247 = arith.select %gt3A_246, %broadcast_in_dim3A_240, %select_n3A_234 : vector<16xi1>, vector<16xi32>
      %select_n3A_248 = arith.select %gt3A_245, %select_n3A_237, %select_n3A_247 : vector<16xi1>, vector<16xi32>
      %select_n3A_249 = arith.select %gt3A_246, %gather3A_244, %select_n3A_236 : vector<16xi1>, vector<16xf32>
      %select_n3A_250 = arith.select %gt3A_245, %select_n3A_238, %select_n3A_249 : vector<16xi1>, vector<16xf32>
      %select_n3A_251 = arith.select %gt3A_245, %broadcast_in_dim3A_240, %select_n3A_237 : vector<16xi1>, vector<16xi32>
      %select_n3A_252 = arith.select %gt3A_245, %gather3A_244, %select_n3A_238 : vector<16xi1>, vector<16xf32>
      %broadcast_in_dim3A_253 = arith.constant 12 : i32
      %broadcast_in_dim3A_254 = vector.broadcast %broadcast_in_dim3A_253 : i32 to vector<16xi32>
      %add3A_255 = arith.constant 12 : i32
      %add3A_256 = vector.broadcast %add3A_255 : i32 to vector<16xi32>
      %add3A_257 = arith.addi %add3A_24, %add3A_256 : vector<16xi32>
      %gather3A_258 = tpu.vector_load_idx %arg5[%add3A_257] : memref<2048xf32, #tpu.memory_space<vmem>>[vector<16xi32>], vector<16xf32>,
      %gt3A_259 = arith.cmpf ogt, %gather3A_258, %select_n3A_252 : vector<16xf32>
      %gt3A_260 = arith.cmpf ogt, %gather3A_258, %select_n3A_250 : vector<16xf32>
      %select_n3A_261 = arith.select %gt3A_260, %broadcast_in_dim3A_254, %select_n3A_248 : vector<16xi1>, vector<16xi32>
      %select_n3A_262 = arith.select %gt3A_259, %select_n3A_251, %select_n3A_261 : vector<16xi1>, vector<16xi32>
      %select_n3A_263 = arith.select %gt3A_260, %gather3A_258, %select_n3A_250 : vector<16xi1>, vector<16xf32>
      %select_n3A_264 = arith.select %gt3A_259, %select_n3A_252, %select_n3A_263 : vector<16xi1>, vector<16xf32>
      %select_n3A_265 = arith.select %gt3A_259, %broadcast_in_dim3A_254, %select_n3A_251 : vector<16xi1>, vector<16xi32>
      %select_n3A_266 = arith.select %gt3A_259, %gather3A_258, %select_n3A_252 : vector<16xi1>, vector<16xf32>
      %broadcast_in_dim3A_267 = arith.constant 13 : i32
      %broadcast_in_dim3A_268 = vector.broadcast %broadcast_in_dim3A_267 : i32 to vector<16xi32>
      %add3A_269 = arith.constant 13 : i32
      %add3A_270 = vector.broadcast %add3A_269 : i32 to vector<16xi32>
      %add3A_271 = arith.addi %add3A_24, %add3A_270 : vector<16xi32>
      %gather3A_272 = tpu.vector_load_idx %arg5[%add3A_271] : memref<2048xf32, #tpu.memory_space<vmem>>[vector<16xi32>], vector<16xf32>,
      %gt3A_273 = arith.cmpf ogt, %gather3A_272, %select_n3A_266 : vector<16xf32>
      %gt3A_274 = arith.cmpf ogt, %gather3A_272, %select_n3A_264 : vector<16xf32>
      %select_n3A_275 = arith.select %gt3A_274, %broadcast_in_dim3A_268, %select_n3A_262 : vector<16xi1>, vector<16xi32>
      %select_n3A_276 = arith.select %gt3A_273, %select_n3A_265, %select_n3A_275 : vector<16xi1>, vector<16xi32>
      %select_n3A_277 = arith.select %gt3A_274, %gather3A_272, %select_n3A_264 : vector<16xi1>, vector<16xf32>
      %select_n3A_278 = arith.select %gt3A_273, %select_n3A_266, %select_n3A_277 : vector<16xi1>, vector<16xf32>
      %select_n3A_279 = arith.select %gt3A_273, %broadcast_in_dim3A_268, %select_n3A_265 : vector<16xi1>, vector<16xi32>
      %select_n3A_280 = arith.select %gt3A_273, %gather3A_272, %select_n3A_266 : vector<16xi1>, vector<16xf32>
      %broadcast_in_dim3A_281 = arith.constant 14 : i32
      %broadcast_in_dim3A_282 = vector.broadcast %broadcast_in_dim3A_281 : i32 to vector<16xi32>
      %add3A_283 = arith.constant 14 : i32
      %add3A_284 = vector.broadcast %add3A_283 : i32 to vector<16xi32>
      %add3A_285 = arith.addi %add3A_24, %add3A_284 : vector<16xi32>
      %gather3A_286 = tpu.vector_load_idx %arg5[%add3A_285] : memref<2048xf32, #tpu.memory_space<vmem>>[vector<16xi32>], vector<16xf32>,
      %gt3A_287 = arith.cmpf ogt, %gather3A_286, %select_n3A_280 : vector<16xf32>
      %gt3A_288 = arith.cmpf ogt, %gather3A_286, %select_n3A_278 : vector<16xf32>
      %select_n3A_289 = arith.select %gt3A_288, %broadcast_in_dim3A_282, %select_n3A_276 : vector<16xi1>, vector<16xi32>
      %select_n3A_290 = arith.select %gt3A_287, %select_n3A_279, %select_n3A_289 : vector<16xi1>, vector<16xi32>
      %select_n3A_291 = arith.select %gt3A_288, %gather3A_286, %select_n3A_278 : vector<16xi1>, vector<16xf32>
      %select_n3A_292 = arith.select %gt3A_287, %select_n3A_280, %select_n3A_291 : vector<16xi1>, vector<16xf32>
      %select_n3A_293 = arith.select %gt3A_287, %broadcast_in_dim3A_282, %select_n3A_279 : vector<16xi1>, vector<16xi32>
      %select_n3A_294 = arith.select %gt3A_287, %gather3A_286, %select_n3A_280 : vector<16xi1>, vector<16xf32>
      %broadcast_in_dim3A_295 = arith.constant 15 : i32
      %broadcast_in_dim3A_296 = vector.broadcast %broadcast_in_dim3A_295 : i32 to vector<16xi32>
      %add3A_297 = arith.constant 15 : i32
      %add3A_298 = vector.broadcast %add3A_297 : i32 to vector<16xi32>
      %add3A_299 = arith.addi %add3A_24, %add3A_298 : vector<16xi32>
      %gather3A_300 = tpu.vector_load_idx %arg5[%add3A_299] : memref<2048xf32, #tpu.memory_space<vmem>>[vector<16xi32>], vector<16xf32>,
      %gt3A_301 = arith.cmpf ogt, %gather3A_300, %select_n3A_294 : vector<16xf32>
      %gt3A_302 = arith.cmpf ogt, %gather3A_300, %select_n3A_292 : vector<16xf32>
      %select_n3A_303 = arith.select %gt3A_302, %broadcast_in_dim3A_296, %select_n3A_290 : vector<16xi1>, vector<16xi32>
      %select_n3A_304 = arith.select %gt3A_301, %select_n3A_293, %select_n3A_303 : vector<16xi1>, vector<16xi32>
      %select_n3A_305 = arith.select %gt3A_302, %gather3A_300, %select_n3A_292 : vector<16xi1>, vector<16xf32>
      %select_n3A_306 = arith.select %gt3A_301, %select_n3A_294, %select_n3A_305 : vector<16xi1>, vector<16xf32>
      %select_n3A_307 = arith.select %gt3A_301, %broadcast_in_dim3A_296, %select_n3A_293 : vector<16xi1>, vector<16xi32>
      %select_n3A_308 = arith.select %gt3A_301, %gather3A_300, %select_n3A_294 : vector<16xi1>, vector<16xf32>
      %sub3A = arith.subf %select_n3A_306, %select_n3A_308 : vector<16xf32>
      %exp3A = math.exp %sub3A : vector<16xf32>
      %add3A_309 = arith.constant 1.000000e+00 : f32
      %add3A_310 = vector.broadcast %add3A_309 : f32 to vector<16xf32>
      %add3A_311 = arith.addf %add3A_310, %exp3A : vector<16xf32>
      %div3A = arith.constant 1.000000e+00 : f32
      %div3A_312 = vector.broadcast %div3A : f32 to vector<16xf32>
      %div3A_313 = arith.divf %div3A_312, %add3A_311 : vector<16xf32>
      %mul3A_314 = arith.mulf %exp3A, %div3A_313 : vector<16xf32>
      %add3A_315 = arith.addi %add3A_24, %select_n3A_307 : vector<16xi32>
      tpu.vector_store_idx %arg6[%add3A_315], %div3A_313 : memref<2048xf32, #tpu.memory_space<vmem>>[vector<16xi32>], vector<16xf32>,
      %add3A_316 = arith.addi %add3A_24, %select_n3A_304 : vector<16xi32>
      tpu.vector_store_idx %arg6[%add3A_316], %mul3A_314 : memref<2048xf32, #tpu.memory_space<vmem>>[vector<16xi32>], vector<16xf32>,
      %mul3A_317 = arith.constant 32 : i32
      %mul3A_318 = arith.muli %scan3A_17, %mul3A_317 : i32
      %mul3A_319 = arith.constant 2 : i32
      %mul3A_320 = vector.broadcast %mul3A_319 : i32 to vector<16xi32>
      %mul3A_321 = arith.muli %iota3A, %mul3A_320 : vector<16xi32>
      %add3A_322 = vector.broadcast %mul3A_318 : i32 to vector<16xi32>
      %add3A_323 = arith.addi %add3A_322, %mul3A_321 : vector<16xi32>
      tpu.vector_store_idx %arg7[%add3A_323], %select_n3A_307 : memref<256xi32, #tpu.memory_space<vmem>>[vector<16xi32>], vector<16xi32>,
      %add3A_324 = arith.constant 1 : i32
      %add3A_325 = vector.broadcast %add3A_324 : i32 to vector<16xi32>
      %add3A_326 = arith.addi %add3A_323, %add3A_325 : vector<16xi32>
      tpu.vector_store_idx %arg7[%add3A_326], %select_n3A_304 : memref<256xi32, #tpu.memory_space<vmem>>[vector<16xi32>], vector<16xi32>,
    }
    %scan3A_12 = arith.constant 8 : i32
    "tpu.region"() ({
      %run_scoped3A = tpu.sem_alloc : memref<!tpu.dma_semaphore, #tpu.memory_space<semaphore_mem>>
      %dma_start3A = tpu.memref_slice %arg3[%mul3A_2] : memref<65536xf32, #tpu.memory_space<hbm>> -> memref<2048xf32, #tpu.memory_space<hbm>>
      %dma_start3A_17 = tpu.memref_slice %arg3[%mul3A_2] : memref<65536xf32, #tpu.memory_space<hbm>> -> memref<2048xf32, #tpu.memory_space<hbm>>
      tpu.enqueue_dma source(%arg6 : memref<2048xf32, #tpu.memory_space<vmem>>) target(%dma_start3A_17 : memref<2048xf32, #tpu.memory_space<hbm>>) target_semaphore(%run_scoped3A : memref<!tpu.dma_semaphore, #tpu.memory_space<semaphore_mem>>)
      %dma_wait3A = tpu.memref_slice %arg3[%mul3A_2] : memref<65536xf32, #tpu.memory_space<hbm>> -> memref<2048xf32, #tpu.memory_space<hbm>>
      %dma_wait3A_18 = tpu.memref_slice %arg3[%mul3A_2] : memref<65536xf32, #tpu.memory_space<hbm>> -> memref<2048xf32, #tpu.memory_space<hbm>>
      tpu.wait_dma2 semaphore(%run_scoped3A : memref<!tpu.dma_semaphore, #tpu.memory_space<semaphore_mem>>) src(%arg6 : memref<2048xf32, #tpu.memory_space<vmem>>) dst(%dma_wait3A_18 : memref<2048xf32, #tpu.memory_space<hbm>>)
      tpu.yield
    }) : () -> ()
    %mul3A_13 = arith.constant 128 : i32
    %mul3A_14 = arith.muli %add3A, %mul3A_13 : i32
    %mul3A_15 = arith.constant 2 : i32
    %mul3A_16 = arith.muli %mul3A_14, %mul3A_15 : i32
    "tpu.region"() ({
      %run_scoped3A = tpu.sem_alloc : memref<!tpu.dma_semaphore, #tpu.memory_space<semaphore_mem>>
      %dma_start3A = tpu.memref_slice %arg4[%mul3A_16] : memref<8192xi32, #tpu.memory_space<hbm>> -> memref<256xi32, #tpu.memory_space<hbm>>
      %dma_start3A_17 = tpu.memref_slice %arg4[%mul3A_16] : memref<8192xi32, #tpu.memory_space<hbm>> -> memref<256xi32, #tpu.memory_space<hbm>>
      tpu.enqueue_dma source(%arg7 : memref<256xi32, #tpu.memory_space<vmem>>) target(%dma_start3A_17 : memref<256xi32, #tpu.memory_space<hbm>>) target_semaphore(%run_scoped3A : memref<!tpu.dma_semaphore, #tpu.memory_space<semaphore_mem>>)
      %dma_wait3A = tpu.memref_slice %arg4[%mul3A_16] : memref<8192xi32, #tpu.memory_space<hbm>> -> memref<256xi32, #tpu.memory_space<hbm>>
      %dma_wait3A_18 = tpu.memref_slice %arg4[%mul3A_16] : memref<8192xi32, #tpu.memory_space<hbm>> -> memref<256xi32, #tpu.memory_space<hbm>>
      tpu.wait_dma2 semaphore(%run_scoped3A : memref<!tpu.dma_semaphore, #tpu.memory_space<semaphore_mem>>) src(%arg7 : memref<256xi32, #tpu.memory_space<vmem>>) dst(%dma_wait3A_18 : memref<256xi32, #tpu.memory_space<hbm>>)
      tpu.yield
    }) : () -> ()
    return
  }
}

module attributes {stable_mosaic.version = 14 : i64} {
  func.func @_logits_body(%arg0: i32, %arg1: memref<1024x2048xf32, #tpu.memory_space<vmem>>, %arg2: memref<16x2048xf32, #tpu.memory_space<vmem>>, %arg3: memref<16x2048xf32, #tpu.memory_space<vmem>>, %arg4: memref<1x16xf32, #tpu.memory_space<vmem>>, %arg5: memref<1x16xf32, #tpu.memory_space<vmem>>, %arg6: memref<1024x16xf32, #tpu.memory_space<vmem>>, %arg7: memref<1024x16xf32, #tpu.memory_space<vmem>>) attributes {dimension_semantics = [#tpu.dimension_semantics<arbitrary>], iteration_bounds = array<i64: 4>, scalar_prefetch = 0 : i64, scratch_operands = 0 : i64, tpu.core_type = #tpu.core_type<tc>, window_params = [{transform_indices = @transform_0, window_bounds = array<i64: 1024, 2048>}, {pipeline_mode = #tpu.pipeline_mode<synchronous>, transform_indices = @transform_1, window_bounds = array<i64: 16, 2048>}, {pipeline_mode = #tpu.pipeline_mode<synchronous>, transform_indices = @transform_2, window_bounds = array<i64: 16, 2048>}, {pipeline_mode = #tpu.pipeline_mode<synchronous>, transform_indices = @transform_3, window_bounds = array<i64: 1, 16>}, {pipeline_mode = #tpu.pipeline_mode<synchronous>, transform_indices = @transform_4, window_bounds = array<i64: 1, 16>}, {transform_indices = @transform_5, window_bounds = array<i64: 1024, 16>}, {transform_indices = @transform_6, window_bounds = array<i64: 1024, 16>}]} {
    %get3A = arith.constant 0 : index
    %get3A_0 = arith.constant 0 : index
    %get3A_1 = vector.load %arg1[%get3A, %get3A_0] : memref<1024x2048xf32, #tpu.memory_space<vmem>>, vector<1024x2048xf32>
    %get3A_2 = arith.constant 0 : index
    %get3A_3 = arith.constant 0 : index
    %get3A_4 = vector.load %arg2[%get3A_2, %get3A_3] : memref<16x2048xf32, #tpu.memory_space<vmem>>, vector<16x2048xf32>
    %dot_general3A = arith.constant dense<0.000000e+00> : vector<1024x16xf32>
    %dot_general3A_5 = tpu.matmul %get3A_1, %get3A_4, %dot_general3A {dimension_numbers = #tpu.dot_dimension_numbers<[1], [1], [0], [0], [0, 0, 1, 0], [], []>, transpose_lhs_hint = false} : vector<1024x2048xf32>, vector<16x2048xf32>, vector<1024x16xf32> -> vector<1024x16xf32>
    %get3A_6 = arith.constant 0 : index
    %get3A_7 = arith.constant 0 : index
    %get3A_8 = vector.load %arg4[%get3A_6, %get3A_7] : memref<1x16xf32, #tpu.memory_space<vmem>>, vector<1x16xf32>
    %add3A = vector.broadcast %get3A_8 : vector<1x16xf32> to vector<1024x16xf32>
    %add3A_9 = arith.addf %dot_general3A_5, %add3A : vector<1024x16xf32>
    %get3A_10 = arith.constant 0 : index
    %get3A_11 = arith.constant 0 : index
    %get3A_12 = vector.load %arg3[%get3A_10, %get3A_11] : memref<16x2048xf32, #tpu.memory_space<vmem>>, vector<16x2048xf32>
    %dot_general3A_13 = arith.constant dense<0.000000e+00> : vector<1024x16xf32>
    %dot_general3A_14 = tpu.matmul %get3A_1, %get3A_12, %dot_general3A_13 {dimension_numbers = #tpu.dot_dimension_numbers<[1], [1], [0], [0], [0, 0, 1, 0], [], []>, transpose_lhs_hint = false} : vector<1024x2048xf32>, vector<16x2048xf32>, vector<1024x16xf32> -> vector<1024x16xf32>
    %get3A_15 = arith.constant 0 : index
    %get3A_16 = arith.constant 0 : index
    %get3A_17 = vector.load %arg5[%get3A_15, %get3A_16] : memref<1x16xf32, #tpu.memory_space<vmem>>, vector<1x16xf32>
    %add3A_18 = vector.broadcast %get3A_17 : vector<1x16xf32> to vector<1024x16xf32>
    %add3A_19 = arith.addf %dot_general3A_14, %add3A_18 : vector<1024x16xf32>
    %get3A_20 = arith.constant 0 : index
    %get3A_21 = arith.constant 0 : index
    %get3A_22 = vector.load %arg6[%get3A_20, %get3A_21] : memref<1024x16xf32, #tpu.memory_space<vmem>>, vector<1024x16xf32>
    %add3A_23 = arith.addf %add3A_9, %get3A_22 : vector<1024x16xf32>
    %add3A_24 = arith.addf %add3A_23, %add3A_19 : vector<1024x16xf32>
    %swap3A = arith.constant 0 : index
    %swap3A_25 = arith.constant 0 : index
    %swap3A_26 = vector.load %arg7[%swap3A, %swap3A_25] : memref<1024x16xf32, #tpu.memory_space<vmem>>, vector<1024x16xf32>
    tpu.vector_store %arg7[%swap3A, %swap3A_25], %add3A_24 {strides = array<i32>} : memref<1024x16xf32, #tpu.memory_space<vmem>>, vector<1024x16xf32>,
    return
  }
  func.func @transform_0(%arg0: i32) -> (i32, i32) {
    %add3A = arith.constant 0 : i32
    %add3A_0 = arith.addi %arg0, %add3A : i32
    %c0_i32 = arith.constant 0 : i32
    %c0_i32_1 = arith.constant 0 : i32
    return %add3A_0, %c0_i32 : i32, i32
  }
  func.func @transform_1(%arg0: i32) -> (i32, i32) {
    %c0_i32 = arith.constant 0 : i32
    %c0_i32_0 = arith.constant 0 : i32
    %c0_i32_1 = arith.constant 0 : i32
    return %c0_i32, %c0_i32_0 : i32, i32
  }
  func.func @transform_2(%arg0: i32) -> (i32, i32) {
    %c0_i32 = arith.constant 0 : i32
    %c0_i32_0 = arith.constant 0 : i32
    %c0_i32_1 = arith.constant 0 : i32
    return %c0_i32, %c0_i32_0 : i32, i32
  }
  func.func @transform_3(%arg0: i32) -> (i32, i32) {
    %c0_i32 = arith.constant 0 : i32
    %c0_i32_0 = arith.constant 0 : i32
    %c0_i32_1 = arith.constant 0 : i32
    return %c0_i32, %c0_i32_0 : i32, i32
  }
  func.func @transform_4(%arg0: i32) -> (i32, i32) {
    %c0_i32 = arith.constant 0 : i32
    %c0_i32_0 = arith.constant 0 : i32
    %c0_i32_1 = arith.constant 0 : i32
    return %c0_i32, %c0_i32_0 : i32, i32
  }
  func.func @transform_5(%arg0: i32) -> (i32, i32) {
    %add3A = arith.constant 0 : i32
    %add3A_0 = arith.addi %arg0, %add3A : i32
    %c0_i32 = arith.constant 0 : i32
    %c0_i32_1 = arith.constant 0 : i32
    return %add3A_0, %c0_i32 : i32, i32
  }
  func.func @transform_6(%arg0: i32) -> (i32, i32) {
    %c0_i32 = arith.constant 0 : i32
    %c0_i32_0 = arith.constant 0 : i32
    return %arg0, %c0_i32 : i32, i32
  }
}

module attributes {stable_mosaic.version = 14 : i64} {
  func.func @_fused_body(%arg0: i32, %arg1: memref<1024x2048xf32, #tpu.memory_space<vmem>>, %arg2: memref<16x2048xf32, #tpu.memory_space<vmem>>, %arg3: memref<16x2048xf32, #tpu.memory_space<vmem>>, %arg4: memref<1x16xf32, #tpu.memory_space<vmem>>, %arg5: memref<1x16xf32, #tpu.memory_space<vmem>>, %arg6: memref<1024x16xf32, #tpu.memory_space<vmem>>, %arg7: memref<1024x16xf32, #tpu.memory_space<vmem>>, %arg8: memref<1024x2xi32, #tpu.memory_space<vmem>>) attributes {dimension_semantics = [#tpu.dimension_semantics<arbitrary>], iteration_bounds = array<i64: 4>, scalar_prefetch = 0 : i64, scratch_operands = 0 : i64, tpu.core_type = #tpu.core_type<tc>, window_params = [{transform_indices = @transform_0, window_bounds = array<i64: 1024, 2048>}, {pipeline_mode = #tpu.pipeline_mode<synchronous>, transform_indices = @transform_1, window_bounds = array<i64: 16, 2048>}, {pipeline_mode = #tpu.pipeline_mode<synchronous>, transform_indices = @transform_2, window_bounds = array<i64: 16, 2048>}, {pipeline_mode = #tpu.pipeline_mode<synchronous>, transform_indices = @transform_3, window_bounds = array<i64: 1, 16>}, {pipeline_mode = #tpu.pipeline_mode<synchronous>, transform_indices = @transform_4, window_bounds = array<i64: 1, 16>}, {transform_indices = @transform_5, window_bounds = array<i64: 1024, 16>}, {transform_indices = @transform_6, window_bounds = array<i64: 1024, 16>}, {transform_indices = @transform_7, window_bounds = array<i64: 1024, 2>}]} {
    %get3A = arith.constant 0 : index
    %get3A_0 = arith.constant 0 : index
    %get3A_1 = vector.load %arg1[%get3A, %get3A_0] : memref<1024x2048xf32, #tpu.memory_space<vmem>>, vector<1024x2048xf32>
    %get3A_2 = arith.constant 0 : index
    %get3A_3 = arith.constant 0 : index
    %get3A_4 = vector.load %arg2[%get3A_2, %get3A_3] : memref<16x2048xf32, #tpu.memory_space<vmem>>, vector<16x2048xf32>
    %dot_general3A = arith.constant dense<0.000000e+00> : vector<1024x16xf32>
    %dot_general3A_5 = tpu.matmul %get3A_1, %get3A_4, %dot_general3A {dimension_numbers = #tpu.dot_dimension_numbers<[1], [1], [0], [0], [0, 0, 1, 0], [], []>, transpose_lhs_hint = false} : vector<1024x2048xf32>, vector<16x2048xf32>, vector<1024x16xf32> -> vector<1024x16xf32>
    %get3A_6 = arith.constant 0 : index
    %get3A_7 = arith.constant 0 : index
    %get3A_8 = vector.load %arg4[%get3A_6, %get3A_7] : memref<1x16xf32, #tpu.memory_space<vmem>>, vector<1x16xf32>
    %add3A = vector.broadcast %get3A_8 : vector<1x16xf32> to vector<1024x16xf32>
    %add3A_9 = arith.addf %dot_general3A_5, %add3A : vector<1024x16xf32>
    %get3A_10 = arith.constant 0 : index
    %get3A_11 = arith.constant 0 : index
    %get3A_12 = vector.load %arg3[%get3A_10, %get3A_11] : memref<16x2048xf32, #tpu.memory_space<vmem>>, vector<16x2048xf32>
    %dot_general3A_13 = arith.constant dense<0.000000e+00> : vector<1024x16xf32>
    %dot_general3A_14 = tpu.matmul %get3A_1, %get3A_12, %dot_general3A_13 {dimension_numbers = #tpu.dot_dimension_numbers<[1], [1], [0], [0], [0, 0, 1, 0], [], []>, transpose_lhs_hint = false} : vector<1024x2048xf32>, vector<16x2048xf32>, vector<1024x16xf32> -> vector<1024x16xf32>
    %get3A_15 = arith.constant 0 : index
    %get3A_16 = arith.constant 0 : index
    %get3A_17 = vector.load %arg5[%get3A_15, %get3A_16] : memref<1x16xf32, #tpu.memory_space<vmem>>, vector<1x16xf32>
    %add3A_18 = vector.broadcast %get3A_17 : vector<1x16xf32> to vector<1024x16xf32>
    %add3A_19 = arith.addf %dot_general3A_14, %add3A_18 : vector<1024x16xf32>
    %get3A_20 = arith.constant 0 : index
    %get3A_21 = arith.constant 0 : index
    %get3A_22 = vector.load %arg6[%get3A_20, %get3A_21] : memref<1024x16xf32, #tpu.memory_space<vmem>>, vector<1024x16xf32>
    %add3A_23 = arith.addf %add3A_9, %get3A_22 : vector<1024x16xf32>
    %add3A_24 = arith.addf %add3A_23, %add3A_19 : vector<1024x16xf32>
    %iota3A = tpu.iota {dimensions = array<i32: 1>} : vector<1024x16xi32>
    %reduce_max3A = arith.constant dense<0xFF800000> : vector<1024xf32>
    %reduce_max3A_25 = vector.multi_reduction <maximumf>, %add3A_24, %reduce_max3A [1] : vector<1024x16xf32> to vector<1024xf32>
    %broadcast_in_dim3A = vector.shape_cast %reduce_max3A_25 : vector<1024xf32> to vector<1024x1xf32>
    %eq3A = vector.broadcast %broadcast_in_dim3A : vector<1024x1xf32> to vector<1024x16xf32>
    %eq3A_26 = arith.cmpf oeq, %add3A_24, %eq3A : vector<1024x16xf32>
    %jit3A = arith.constant 16 : i32
    %broadcast_in_dim3A_27 = vector.broadcast %jit3A : i32 to vector<1024x16xi32>
    %select_n3A = arith.select %eq3A_26, %iota3A, %broadcast_in_dim3A_27 : vector<1024x16xi1>, vector<1024x16xi32>
    %reduce_min3A = arith.constant dense<2147483647> : vector<1024xi32>
    %reduce_min3A_28 = vector.multi_reduction <minsi>, %select_n3A, %reduce_min3A [1] : vector<1024x16xi32> to vector<1024xi32>
    %broadcast_in_dim3A_29 = vector.shape_cast %reduce_min3A_28 : vector<1024xi32> to vector<1024x1xi32>
    %eq3A_30 = vector.broadcast %broadcast_in_dim3A_29 : vector<1024x1xi32> to vector<1024x16xi32>
    %eq3A_31 = arith.cmpi eq, %iota3A, %eq3A_30 : vector<1024x16xi32>
    %jit3A_32 = arith.constant 0xFF800000 : f32
    %broadcast_in_dim3A_33 = vector.broadcast %jit3A_32 : f32 to vector<1024x16xf32>
    %select_n3A_34 = arith.select %eq3A_31, %broadcast_in_dim3A_33, %add3A_24 : vector<1024x16xi1>, vector<1024x16xf32>
    %reduce_max3A_35 = arith.constant dense<0xFF800000> : vector<1024xf32>
    %reduce_max3A_36 = vector.multi_reduction <maximumf>, %select_n3A_34, %reduce_max3A_35 [1] : vector<1024x16xf32> to vector<1024xf32>
    %broadcast_in_dim3A_37 = vector.shape_cast %reduce_max3A_36 : vector<1024xf32> to vector<1024x1xf32>
    %eq3A_38 = vector.broadcast %broadcast_in_dim3A_37 : vector<1024x1xf32> to vector<1024x16xf32>
    %eq3A_39 = arith.cmpf oeq, %select_n3A_34, %eq3A_38 : vector<1024x16xf32>
    %jit3A_40 = arith.constant 16 : i32
    %broadcast_in_dim3A_41 = vector.broadcast %jit3A_40 : i32 to vector<1024x16xi32>
    %select_n3A_42 = arith.select %eq3A_39, %iota3A, %broadcast_in_dim3A_41 : vector<1024x16xi1>, vector<1024x16xi32>
    %reduce_min3A_43 = arith.constant dense<2147483647> : vector<1024xi32>
    %reduce_min3A_44 = vector.multi_reduction <minsi>, %select_n3A_42, %reduce_min3A_43 [1] : vector<1024x16xi32> to vector<1024xi32>
    %broadcast_in_dim3A_45 = vector.shape_cast %reduce_min3A_44 : vector<1024xi32> to vector<1024x1xi32>
    %sub3A = arith.subf %broadcast_in_dim3A_37, %broadcast_in_dim3A : vector<1024x1xf32>
    %exp3A = math.exp %sub3A : vector<1024x1xf32>
    %add3A_46 = arith.constant 1.000000e+00 : f32
    %add3A_47 = vector.broadcast %add3A_46 : f32 to vector<1024x1xf32>
    %add3A_48 = arith.addf %add3A_47, %exp3A : vector<1024x1xf32>
    %div3A = arith.constant 1.000000e+00 : f32
    %div3A_49 = vector.broadcast %div3A : f32 to vector<1024x1xf32>
    %div3A_50 = arith.divf %div3A_49, %add3A_48 : vector<1024x1xf32>
    %mul3A = arith.mulf %exp3A, %div3A_50 : vector<1024x1xf32>
    %eq3A_51 = vector.broadcast %broadcast_in_dim3A_29 : vector<1024x1xi32> to vector<1024x16xi32>
    %eq3A_52 = arith.cmpi eq, %iota3A, %eq3A_51 : vector<1024x16xi32>
    %jit3A_53 = arith.constant 0.000000e+00 : f32
    %broadcast_in_dim3A_54 = vector.shape_cast %div3A_50 : vector<1024x1xf32> to vector<1024x1xf32>
    %broadcast_in_dim3A_55 = vector.broadcast %broadcast_in_dim3A_54 : vector<1024x1xf32> to vector<1024x16xf32>
    %broadcast_in_dim3A_56 = vector.broadcast %jit3A_53 : f32 to vector<1024x16xf32>
    %select_n3A_57 = arith.select %eq3A_52, %broadcast_in_dim3A_55, %broadcast_in_dim3A_56 : vector<1024x16xi1>, vector<1024x16xf32>
    %eq3A_58 = vector.broadcast %broadcast_in_dim3A_45 : vector<1024x1xi32> to vector<1024x16xi32>
    %eq3A_59 = arith.cmpi eq, %iota3A, %eq3A_58 : vector<1024x16xi32>
    %jit3A_60 = arith.constant 0.000000e+00 : f32
    %broadcast_in_dim3A_61 = vector.shape_cast %mul3A : vector<1024x1xf32> to vector<1024x1xf32>
    %broadcast_in_dim3A_62 = vector.broadcast %broadcast_in_dim3A_61 : vector<1024x1xf32> to vector<1024x16xf32>
    %broadcast_in_dim3A_63 = vector.broadcast %jit3A_60 : f32 to vector<1024x16xf32>
    %select_n3A_64 = arith.select %eq3A_59, %broadcast_in_dim3A_62, %broadcast_in_dim3A_63 : vector<1024x16xi1>, vector<1024x16xf32>
    %add3A_65 = arith.addf %select_n3A_57, %select_n3A_64 : vector<1024x16xf32>
    %swap3A = arith.constant 0 : index
    %swap3A_66 = arith.constant 0 : index
    %swap3A_67 = vector.load %arg7[%swap3A, %swap3A_66] : memref<1024x16xf32, #tpu.memory_space<vmem>>, vector<1024x16xf32>
    tpu.vector_store %arg7[%swap3A, %swap3A_66], %add3A_65 {strides = array<i32>} : memref<1024x16xf32, #tpu.memory_space<vmem>>, vector<1024x16xf32>,
    %concatenate3A = tpu.concatenate %broadcast_in_dim3A_29, %broadcast_in_dim3A_45 in 1 : vector<1024x1xi32>, vector<1024x1xi32> -> vector<1024x2xi32>
    %swap3A_68 = arith.constant 0 : index
    %swap3A_69 = arith.constant 0 : index
    %swap3A_70 = vector.load %arg8[%swap3A_68, %swap3A_69] : memref<1024x2xi32, #tpu.memory_space<vmem>>, vector<1024x2xi32>
    tpu.vector_store %arg8[%swap3A_68, %swap3A_69], %concatenate3A {strides = array<i32>} : memref<1024x2xi32, #tpu.memory_space<vmem>>, vector<1024x2xi32>,
    return
  }
  func.func @transform_0(%arg0: i32) -> (i32, i32) {
    %add3A = arith.constant 4 : i32
    %add3A_0 = arith.addi %arg0, %add3A : i32
    %c0_i32 = arith.constant 0 : i32
    %c0_i32_1 = arith.constant 0 : i32
    return %add3A_0, %c0_i32 : i32, i32
  }
  func.func @transform_1(%arg0: i32) -> (i32, i32) {
    %c0_i32 = arith.constant 0 : i32
    %c0_i32_0 = arith.constant 0 : i32
    %c0_i32_1 = arith.constant 0 : i32
    return %c0_i32, %c0_i32_0 : i32, i32
  }
  func.func @transform_2(%arg0: i32) -> (i32, i32) {
    %c0_i32 = arith.constant 0 : i32
    %c0_i32_0 = arith.constant 0 : i32
    %c0_i32_1 = arith.constant 0 : i32
    return %c0_i32, %c0_i32_0 : i32, i32
  }
  func.func @transform_3(%arg0: i32) -> (i32, i32) {
    %c0_i32 = arith.constant 0 : i32
    %c0_i32_0 = arith.constant 0 : i32
    %c0_i32_1 = arith.constant 0 : i32
    return %c0_i32, %c0_i32_0 : i32, i32
  }
  func.func @transform_4(%arg0: i32) -> (i32, i32) {
    %c0_i32 = arith.constant 0 : i32
    %c0_i32_0 = arith.constant 0 : i32
    %c0_i32_1 = arith.constant 0 : i32
    return %c0_i32, %c0_i32_0 : i32, i32
  }
  func.func @transform_5(%arg0: i32) -> (i32, i32) {
    %add3A = arith.constant 4 : i32
    %add3A_0 = arith.addi %arg0, %add3A : i32
    %c0_i32 = arith.constant 0 : i32
    %c0_i32_1 = arith.constant 0 : i32
    return %add3A_0, %c0_i32 : i32, i32
  }
  func.func @transform_6(%arg0: i32) -> (i32, i32) {
    %c0_i32 = arith.constant 0 : i32
    %c0_i32_0 = arith.constant 0 : i32
    return %arg0, %c0_i32 : i32, i32
  }
  func.func @transform_7(%arg0: i32) -> (i32, i32) {
    %c0_i32 = arith.constant 0 : i32
    %c0_i32_0 = arith.constant 0 : i32
    return %arg0, %c0_i32 : i32, i32
  }
}

</mosaic_0001>

<sc_bundles>
// kernel: kernel.5.cloned.1.call-start
scs
__scs_entry_jumppad:
0x0: {  	(pc) =	sbr.rel $0x88, $3  }
0x1: {  	(tag) =	ssettag $0x0;
	lr =	simm.s32 $0x1  }
0x2: {  	[smem:$0x3F9C] =	sst lr;
	_ =	strace $0xD0000000  }
0x3: {  	_ = 	snop  }
0x4: {  	_ = 	snop  }
0x5: {  	_ = 	snop  }
0x6: {  	_ = 	snop  }
0x7: {  	_ = 	snop  }
__scs_overlays_trampoline_lowered:
0x8: {  	[smem:$0x3FAB] =	sst s0  }
0x9: {  	[smem:$0x3FAC] =	sst s1  }
0xa: {  	[smem:$0x3FAD] =	sst s2  }
0xb: {  	[smem:$0x3FAE] =	sst s3  }
0xc: {  	[smem:$0x3FAF] =	sst s4  }
0xd: {  	[smem:$0x3FB0] =	sst s5  }
0xe: {  	[smem:$0x3FB1] =	sst s6  }
0xf: {  	[smem:$0x3FB2] =	sst s7  }
0x10: {  	[smem:$0x3FB3] =	sst s8  }
0x11: {  	[smem:$0x3FB4] =	sst s9;
	s0 =	simm.s32 @!p0 $0x0  }
0x12: {  	s1 =	sld [smem:$0x3F9A];
	s0 =	simm.s32 @p0 $0x1  }
0x13: {  	[smem:$0x3FB5] =	sst s0;
	s0 =	simm.s32 @!p1 $0x0  }
0x14: {  	s2 =	sld [smem:$0x3F99];
	s0 =	simm.s32 @p1 $0x1  }
0x15: {  	[smem:$0x3FB6] =	sst s0;
	s0 =	simm.s32 @!p2 $0x0  }
0x16: {  	s3 =	sld [smem:$0x3FDB];
	s0 =	simm.s32 @p2 $0x1  }
0x17: {  	s4 =	simm.s32 $0x1BF5;
	[smem:$0x3FB8] =	sst s0  }
0x18: {  	s0 =	sld [smem:$0x3F9B];
	_ =	swait.ge [sflag:s4], $0x0  }
0x19: {  	s7 =	sld [smem:$0x3F9C]  }
0x1a: {  	s8 =	sadd.s32 $0xFFFFE003, lr  }
0x1b: {  	s9 =	sadd.s32 $0xFFFFFEF7, lr;
	s5 =	simm.s32 $0xFFFFFFFF;
	p2 =	slt.u32 s8, $0xFFFFF086  }
0x1c: {  	p1 =	slt.u32 s9, $0xF7A;
	s5 =	simm.s32 @!p2 $0x0  }
0x1d: {  	s5 =	simm.s32 @p1 $0x1;
	p0 =	seq.s32 s7, s2  }
0x1e: {  	s7 =	smul.u32 @!p0 $0xF7A, s2;
	p2 =	seq.s32 @!p0 s5, $0x0  }
0x1f: {  	s9 =	smul.u32 $0xF7A, s1;
	s8 =	simm.s32 @!p0 $0x1BF5;
	p2 =	por !p2, p0  }
0x20: {  	[sflag:s8] =	ssyncset.s32 @!p0 $0xFFFFF086;
	s6 =	sadd.s32 @!p0 s3, s7;
	s7 =	simm.s32 @!p0 $0x108  }
0x21: {  	s3 =	sadd.s32 s3, s9;
	s6 =	sadd.s32 @!p0 $0x88, s6;
	s7 =	simm.s32 @p2 $0x1082  }
0x22: {  	[simem:s7], [sflag:s8] =	dma.local @!p0 [hbm:s6], $0xF7A  }
0x23: {  	s9 =	sor.u32 $0xD0000000, s2;
	s6 =	simm.s32 $0x108;
	_ =	swait.ge @!p0 [sflag:s8], $0x0  }
0x24: {  	s3 =	sadd.s32 $0x88, s3;
	s6 =	simm.s32 @!p1 $0x1082;
	[sflag:s4] =	ssyncset.s32 $0xFFFFF086  }
0x25: {  	[simem:s6], [sflag:s4] =	dma.local [hbm:s3], $0xF7A  }
0x26: {  	[smem:$0x3F9C] =	sst s1;
	(tag) =	ssettag s2;
	_ =	strace s9  }
0x27: {  	s1 =	sld [smem:$0x3FAC]  }
0x28: {  	s2 =	sld [smem:$0x3FAD]  }
0x29: {  	s4 =	sld [smem:$0x3FAF]  }
0x2a: {  	p0 =	seq.s32 s5, $0x0;
	s5 =	sld [smem:$0x3FB0]  }
0x2b: {  	s6 =	sld [smem:$0x3FB1]  }
0x2c: {  	s7 =	sld [smem:$0x3FB2]  }
0x2d: {  	s3 =	simm.s32 $0x108;
	s8 =	sld [smem:$0x3FB3]  }
0x2e: {  	s3 =	simm.s32 @!p0 $0x1082;
	s9 =	sld [smem:$0x3FB4]  }
0x2f: {  	lr =	sadd.s32 s0, s3;
	s0 =	sld [smem:$0x3FAB]  }
0x30: {  	s3 =	sld [smem:$0x3FAE]  }
0x31: {  	[smem:$0x3FB7] =	sst s10  }
0x32: {  	s10 =	sld [smem:$0x3FB5];
	_ =	sdelay $0x3  }
0x33: {  	p0 =	seq.s32 s10, $0x1;
	s10 =	sld [smem:$0x3FB7];
	_ =	sdelay $0x3  }
0x34: {  	[smem:$0x3FB7] =	sst s10  }
0x35: {  	s10 =	sld [smem:$0x3FB6];
	_ =	sdelay $0x3  }
0x36: {  	p1 =	seq.s32 s10, $0x1;
	s10 =	sld [smem:$0x3FB7];
	_ =	sdelay $0x3  }
0x37: {  	[smem:$0x3FB7] =	sst s10  }
0x38: {  	s10 =	sld [smem:$0x3FB8]  }
0x39: {  	_ = 	snop;
	(pc) =	sbr.ind lr, $3  }
0x3a: {  	_ = 	snop  }
0x3b: {  	_ = 	snop  }
0x3c: {  	p2 =	seq.s32 s10, $0x1;
	s10 =	sld [smem:$0x3FB7]  }
0x3d: {  	_ =	shalt  }
0x3e: {  	_ =	shalt  }
0x3f: {  	_ =	shalt  }
0x40: {  	_ =	shalt  }
0x41: {  	_ =	shalt  }
0x42: {  	_ =	shalt  }
0x43: {  	_ =	shalt  }
0x44: {  	_ =	shalt  }
0x45: {  	_ =	shalt  }
0x46: {  	_ =	shalt  }
0x47: {  	_ =	shalt  }
0x48: {  	_ =	shalt  }
0x49: {  	_ =	shalt  }
0x4a: {  	_ =	shalt  }
0x4b: {  	_ =	shalt  }
0x4c: {  	_ =	shalt  }
0x4d: {  	_ =	shalt  }
0x4e: {  	_ =	shalt  }
0x4f: {  	_ =	shalt  }
0x50: {  	_ =	shalt  }
0x51: {  	_ =	shalt  }
0x52: {  	_ =	shalt  }
0x53: {  	_ =	shalt  }
0x54: {  	_ =	shalt  }
0x55: {  	_ =	shalt  }
0x56: {  	_ =	shalt  }
0x57: {  	_ =	shalt  }
0x58: {  	_ =	shalt  }
0x59: {  	_ =	shalt  }
0x5a: {  	_ =	shalt  }
0x5b: {  	_ =	shalt  }
0x5c: {  	_ =	shalt  }
0x5d: {  	_ =	shalt  }
0x5e: {  	_ =	shalt  }
0x5f: {  	_ =	shalt  }
0x60: {  	_ =	shalt  }
0x61: {  	_ =	shalt  }
0x62: {  	_ =	shalt  }
0x63: {  	_ =	shalt  }
0x64: {  	_ =	shalt  }
0x65: {  	_ =	shalt  }
0x66: {  	_ =	shalt  }
0x67: {  	_ =	shalt  }
0x68: {  	_ =	shalt  }
0x69: {  	_ =	shalt  }
0x6a: {  	_ =	shalt  }
0x6b: {  	_ =	shalt  }
0x6c: {  	_ =	shalt  }
0x6d: {  	_ =	shalt  }
0x6e: {  	_ =	shalt  }
0x6f: {  	_ =	shalt  }
0x70: {  	_ =	shalt  }
0x71: {  	_ =	shalt  }
0x72: {  	_ =	shalt  }
0x73: {  	_ =	shalt  }
0x74: {  	_ =	shalt  }
0x75: {  	_ =	shalt  }
0x76: {  	_ =	shalt  }
0x77: {  	_ =	shalt  }
0x78: {  	_ =	shalt  }
0x79: {  	_ =	shalt  }
0x7a: {  	_ =	shalt  }
0x7b: {  	_ =	shalt  }
0x7c: {  	_ =	shalt  }
0x7d: {  	_ =	shalt  }
0x7e: {  	_ =	shalt  }
0x7f: {  	_ =	shalt  }
0x80: {  	_ =	shalt  }
0x81: {  	_ =	shalt  }
0x82: {  	_ =	shalt  }
0x83: {  	_ =	shalt  }
0x84: {  	_ =	shalt  }
0x85: {  	_ =	shalt  }
0x86: {  	_ =	shalt  }
0x87: {  	_ =	shalt  }
.Lfunc_end0:
.L_simem_size_0:
called_computation_lowered:
.L_overlay_start_0:
0x88: {  	s2 =	sld [smem:$0x3FD9]  }
0x89: {  	s3 =	sld [smem:$0x3FFE];
	_ =	sdelay $0x1  }
0x8a: {  	s1 =	srdreg.scid  }
0x8b: {  	s0 =	sand.u32 $0x1, s1  }
0x8c: {  	s14 =	sshll.u32 s0, $0xA;
	s2 =	sadd.s32 s3, s2  }
0x8d: {  	s2 =	sadd.s32 s2, s14  }
0x8e: {  	[smem:$0x3FC3] =	sst s2  }
0x8f: {  	_ = 	snop  }
0x90: {  	s2 =	sld [smem:$0x3FD0];
	_ =	sdelay $0x2  }
0x91: {  	s15 =	simm.s32 $0xA;
	s4 =	simm.s32 $0x10  }
0x92: {  	[smem:s4], [sflag:s15] =	dma.local [hbm:s2], $0x1  }
0x93: {  	_ =	swait.eq [sflag:s15], $0x1  }
0x94: {  	[sflag:s15] =	ssyncset.done $0x0  }
0x95: {  	s16 =	sld [smem:$0x10];
	[sflag:s15] =	ssyncadd.s32 $0xFFFFFFFF  }
0x96: {  	s17 =	sld [smem:$0x11];
	(tm) =	ssettm $0x1  }
0x97: {  	s18 =	sld [smem:$0x3FFB];
	_ =	sdelay $0x3  }
0x98: {  	_ =	strace s18  }
0x99: {  	s4 =	sld [smem:$0x3FFC];
	_ =	sdelay $0x3  }
0x9a: {  	_ =	strace s4  }
0x9b: {  	s4 =	sld [smem:$0x3FFD];
	_ =	sdelay $0x3  }
0x9c: {  	_ =	strace s4  }
0x9d: {  	_ =	strace $0x8FFFFFFF  }
0x9e: {  	s19 =	sld [smem:$0x3FDB];
	_ =	sdelay $0x1  }
0x9f: {  	s5 =	simm.s32 $_scs_section_size  }
0xa0: {  	s6 =	simm.s32 $_size__tile_overlayer_lowered;
	s7 =	simm.s32 $_tile_overlayer_lowered  }
0xa1: {  	s22 =	simm.s32 $0x1BFF;
	s21 =	sshll.u32 s7, $0x1;
	s4 =	sadd.s32 s5, s19  }
0xa2: {  	s8 =	simm.s32 $0x0;
	s20 =	sshll.u32 s6, $0x1;
	s6 =	sadd.s32 s21, s4  }
0xa3: {  	[timem:s8], [sflag:s22] =	dma.local [hbm:s6], s20  }
0xa4: {  	_ =	swait.ge [sflag:s22], s20  }
0xa5: {  	s5 =	ssub.s32 $0x0, s20;
	[sflag:s22] =	ssyncset.done $0x0  }
0xa6: {  	[sflag:s22] =	ssyncadd.s32 s5;
	_ =	sdelay $0x1  }
0xa7: {  	s23 =	simm.s32 $0x1B8B  }
0xa8: {  	_ =	swait.ge [sflag:s23], $0x1  }
0xa9: {  	[sflag:s23] =	ssyncset.done $0x0  }
0xaa: {  	s25 =	simm.s32 $0x1B8E;
	s24 =	sld [smem:$0x3FFE];
	[sflag:s23] =	ssyncadd.s32 $0xFFFFFFFF  }
0xab: {  	s26 =	simm.s32 $execute0_lowered;
	[smem:$0x3FD2] =	sst s25  }
0xac: {  	s6 =	sshll.u32 s26, $0x1;
	_ =	strace $0x80000046;
	[dreg:$0x1] =	wrdreg $0xFFFFFFFF  }
0xad: {  	s28 =	simm.s32 $_size_execute0_lowered;
	s4 =	sadd.s32 s4, s6;
	[dreg:$0x0] =	wrdreg $0x0  }
0xae: {  	s6 =	sshll.u32 s28, $0x1;
	[dreg:$0x2] =	wrdreg s4  }
0xaf: {  	[dreg:$0x3] =	wrdreg s6  }
0xb0: {  	[dreg:$0x4] =	wrdreg $0xC0  }
0xb1: {  	_ =	task [dreg:s8], $0x5FFFF  }
0xb2: {  	[dreg:$0x1] =	wrdreg $0xFFFFFFFF  }
0xb3: {  	[dreg:$0x0] =	wrdreg $0x60  }
0xb4: {  	[dreg:$0x2] =	wrdreg s16  }
0xb5: {  	[dreg:$0x3] =	wrdreg s24  }
0xb6: {  	[dreg:$0x4] =	wrdreg s17  }
0xb7: {  	[dreg:$0x5] =	wrdreg $0x9  }
0xb8: {  	_ =	task.clear_ibuf [dreg:s8], $0x6FFFF;
	_ =	strace $0x90000046  }
0xb9: {  	s29 =	simm.s32 $0x9;
	_ =	strace $0x80000048  }
0xba: {  	_ =	swait.ge [sflag:s29], $0x1  }
0xbb: {  	[sflag:s29] =	ssyncadd.s32 $0xFFFFFFFF  }
0xbc: {  	_ =	strace $0x90000048  }
0xbd: {  	_ =	sfence  }
0xbe: {  	s30 =	sld [smem:$0x0];
	_ =	sdelay $0x2  }
0xbf: {  	s31 =	sshll.u32 s1, $0xD;
	s1 =	sshrl.u32 s1, $0x2  }
0xc0: {  	s3 =	sand.u32 $0x4000, s31;
	s1 =	sadd.s32 s1, s30  }
0xc1: {  	s0 =	sor.u32 s3, s0;
	s1 =	sshll.u32 s1, $0x11  }
0xc2: {  	s0 =	sor.u32 s1, s0  }
0xc3: {  	s0 =	sadd.s32 $0x8F2B, s0  }
0xc4: {  	[sflag:s0] =	ssyncadd.remote.s32 $0x1  }
0xc5: {  	_ =	sfence.sel $0xFFFF  }
0xc6: {  	[dreg:$0x0] =	wrdreg $0xFFFFFFFF;
	(pc) =	sbr.abs _section_cstart, $3  }
0xc7: {  	[dreg:$0x1] =	wrdreg $0xFFFFFFFF  }
0xc8: {  	_ =	task.clear_ibuf [dreg:s8], $0x2FFFF;
	_ =	strace $0x9FFFFFFF  }
0xc9: {  	(tm) =	ssettm $0x7FFFFFFF  }
tec
execute0_lowered:
.L_overlay_start_1:
0x0: {  	(tag) =	ssettag $0x1  }
0x1: {  	s3 =	rddreg [dreg:$0x0]  }
0x2: {  	v14 =	vlaneseq.u32;
	s4 =	rddreg [dreg:$0x1]  }
0x3: {  	s5 =	rddreg [dreg:$0x2];
	v0 =	vand.u32 $0x7, v14  }
0x4: {  	s2 =	srdreg.scid;
	s1 =	stileid.u32;
	v2 =	vmul.u32 $0x10, v0;
	v0 =	vmul.u32 $0x10, v14  }
0x5: {  	s0 =	rddreg [dreg:$0x3];
	v1 =	vimm.f32 $0.0e+00;
	v4 =	vimm.s32 $0x0;
	s6 =	sand.u32 $0x1, s2;
	s7 =	sshll.u32 s1, $0x1  }
0x6: {  	s10 =	simm.s32 $0x0;
	s2 =	simm.s32 $0x0;
	s7 =	sor.u32 s6, s7;
	v14 =	vmul.u32 $0x2, v14;
	v2 =	vor.u32 $0xFFFFFF80, v2;
	v3 =	vor.u32 $0x1, v0  }
0x7: {  	s6 =	ssub.s32 $0x2, s6;
	[smem:$0x7FF] =	sst s2;
	s8 =	sshll.u32 s7, $0x8;
	v5 =	vor.u32 $0x2, v0;
	v6 =	vor.u32 $0x3, v0;
	v7 =	vor.u32 $0x4, v0  }
0x8: {  	s9 =	sshrl.u32 s6, $0x1;
	_ =	strace $0x80000047;
	s7 =	sshll.u32 s7, $0x5;
	v8 =	vor.u32 $0x5, v0;
	v9 =	vor.u32 $0x6, v0;
	v10 =	vor.u32 $0x7, v0  }
0x9: {  	s4 =	sadd.s32 s8, s4;
	s6 =	ssub.s32 s6, s9;
	v11 =	vor.u32 $0x8, v0;
	s3 =	sadd.s32 s3, s8;
	v12 =	vor.u32 $0x9, v0;
	v13 =	vor.u32 $0xA, v0  }
0xa: {  	s5 =	sadd.s32 s5, s7;
	s7 =	simm.s32 $0x1;
	v15 =	vor.u32 $0xB, v0;
	v16 =	vor.u32 $0xC, v0;
	v17 =	vor.u32 $0xD, v0;
	s8 =	simm.s32 $0x800  }
0xb: {  	v18 =	vor.u32 $0xE, v0;
	v19 =	vor.u32 $0xF, v0;
	s9 =	simm.s32 $0x1000;
	v20 =	vor.u32 $0x1, v14;
	s4 =	sadd.s32 $0x1600, s4;
	s6 =	smax.u32 s6, $0x1  }
.LBB2_1:
0xc: {  	[tilespmem:s2], [sflag:$0x1] =	stream.linear.gather [hbm4b:s3+s2], $0x800, $0x38;
	[tilespmem:$0x1100] =	vst v63  }
0xd: {  	_ =	swait.ge [sflag:s7], $0x800  }
0xe: {  	[sflag:s7] =	ssyncset.done $0x0  }
0xf: {  	s11 =	simm.s32 $0x880;
	[sflag:s7] =	ssyncadd.s32 $0xFFFFF800  }
0x10: {  	[tilespmem:s11+$0x70] =	vst v1  }
0x11: {  	[tilespmem:s11+$0x60] =	vst v1  }
0x12: {  	[tilespmem:s11+$0x50] =	vst v1  }
0x13: {  	[tilespmem:s11+$0x40] =	vst v1  }
0x14: {  	[tilespmem:s11+$0x30] =	vst v1  }
0x15: {  	[tilespmem:s11+$0x20] =	vst v1  }
0x16: {  	[tilespmem:s11+$0x10] =	vst v1  }
0x17: {  	[tilespmem:s11+$0x0] =	vst v1  }
0x18: {  	[tilespmem:s11+$0xFFFFFFF0] =	vst v1  }
0x19: {  	[tilespmem:s11+$0xFFFFFFE0] =	vst v1  }
0x1a: {  	v21 =	vor.u32 s2, v0;
	[tilespmem:s11+$0xFFFFFFD0] =	vst v1  }
0x1b: {  	v22 =	vand.u32 v2, v21;
	[tilespmem:s11+$0xFFFFFFC0] =	vst v1  }
0x1c: {  	v23 =	vor.u32 s2, v3;
	[tilespmem:s11+$0xFFFFFFB0] =	vst v1  }
0x1d: {  	[tilespmem:s11+$0xFFFFFFA0] =	vst v1  }
0x1e: {  	[tilespmem:s11+$0xFFFFFF90] =	vst v1  }
0x1f: {  	[tilespmem:s11+$0xFFFFFF80] =	vst v1  }
0x20: {  	v24 =	vor.u32 s2, v5;
	v22 =	vld.idx.msk [tilespmem:v22+s2+$0x0], $0xffff  }
0x21: {  	v23 =	vld.idx.msk [tilespmem:v23+s2+$0x0], $0xffff;
	_ =	sdelay $0x2  }
0x22: {  	v25 =	vor.u32 s2, v6  }
0x23: {  	v24 =	vld.idx.msk [tilespmem:v24+s2+$0x0], $0xffff;
	vm0 =	vgt.f32 v22, $-Inf  }
0x24: {  	vm6 =	vlt.f32 v23, $-Inf;
	vm1 =	vgt.f32 v23, $-Inf;
	v22 =	vnsel vm0, $0xFF800000, v22  }
0x25: {  	v26 =	vor.u32 s2, v7;
	vm15 =	vmor vm1, vm6;
	vm12 =	vgt.f32 v23, v22  }
0x26: {  	v27 =	vnsel vm15, $0xFF800000, v23;
	vm10 =	vmneg vm12  }
0x27: {  	v28 =	vor.u32 s2, v8;
	v25 =	vld.idx.msk [tilespmem:v25+s2+$0x0], $0xffff;
	v27 =	vsel vm10, v27, v22  }
0x28: {  	v22 =	vsel vm10, v22, v23;
	v23 =	vimm.s32 $0x0;
	vm7 =	vgt.f32 v24, v27  }
0x29: {  	v23 =	vsel vm7, $0xFFFFFFFF, v23  }
0x2a: {  	vm9 =	vgt.f32 v24, v22;
	v52 =	vsel vm7, v24, v27;
	[tilespmem:$0x1FF50] =	vst v23;
	v23 =	vld.idx.msk [tilespmem:v26+s2+$0x0], $0xffff  }
0x2b: {  	v26 =	vsel vm9, v22, v52  }
0x2c: {  	v53 =	vor.u32 s2, v9;
	v22 =	vsel vm9, v24, v22;
	vm11 =	vgt.f32 v25, v26  }
0x2d: {  	v55 =	vld.idx.msk [tilespmem:v28+s2+$0x0], $0xffff;
	vm7 =	vgt.f32 v25, v22;
	v26 =	vsel vm11, v25, v26  }
0x2e: {  	v26 =	vsel vm7, v22, v26  }
0x2f: {  	v56 =	vor.u32 s2, v10;
	v22 =	vsel vm7, v25, v22;
	vm13 =	vgt.f32 v23, v26  }
0x30: {  	vm8 =	vgt.f32 v23, v22;
	v26 =	vsel vm13, v23, v26  }
0x31: {  	v59 =	vor.u32 s2, v11;
	v58 =	vld.idx.msk [tilespmem:v53+s2+$0x0], $0xffff;
	v26 =	vsel vm8, v22, v26  }
0x32: {  	v22 =	vsel vm8, v23, v22;
	v23 =	vimm.s32 $0x0;
	vm14 =	vgt.f32 v55, v26  }
0x33: {  	v23 =	vsel vm14, $0xFFFFFFFF, v23  }
0x34: {  	vm6 =	vgt.f32 v55, v22;
	v26 =	vsel vm14, v55, v26;
	[tilespmem:$0x1FF80] =	vst v23;
	v23 =	vld.idx.msk [tilespmem:v56+s2+$0x0], $0xffff  }
0x35: {  	v54 =	vimm.s32 $0x0;
	v26 =	vsel vm6, v22, v26  }
0x36: {  	v60 =	vor.u32 s2, v12;
	v22 =	vsel vm6, v55, v22;
	vm4 =	vgt.f32 v58, v26  }
0x37: {  	v62 =	vld.idx.msk [tilespmem:v59+s2+$0x0], $0xffff;
	v24 =	vsel vm11, $0xFFFFFFFF, v54;
	vm11 =	vgt.f32 v58, v22;
	v26 =	vsel vm4, v58, v26  }
0x38: {  	v26 =	vsel vm11, v22, v26  }
0x39: {  	v63 =	vor.u32 s2, v13;
	v22 =	vsel vm11, v58, v22;
	vm5 =	vgt.f32 v23, v26  }
0x3a: {  	v57 =	vimm.s32 $0x0;
	vm14 =	vgt.f32 v23, v22;
	v26 =	vsel vm5, v23, v26  }
0x3b: {  	v33 =	vor.u32 s2, v15;
	v32 =	vld.idx.msk [tilespmem:v60+s2+$0x0], $0xffff;
	v25 =	vsel vm13, $0xFFFFFFFF, v57;
	v26 =	vsel vm14, v22, v26  }
0x3c: {  	v22 =	vsel vm14, v23, v22;
	v23 =	vimm.s32 $0x0;
	vm13 =	vgt.f32 v62, v26  }
0x3d: {  	v61 =	vimm.s32 $0x0;
	v31 =	vimm.s32 $0x0;
	[tilespmem:$0x1FF70] =	vst v25;
	v23 =	vsel vm13, $0xFFFFFFFF, v23  }
0x3e: {  	v25 =	vsel vm5, $0xFFFFFFFF, v31;
	vm5 =	vgt.f32 v62, v22;
	v26 =	vsel vm13, v62, v26;
	[tilespmem:$0x1FFB0] =	vst v23;
	v23 =	vld.idx.msk [tilespmem:v63+s2+$0x0], $0xffff  }
0x3f: {  	v34 =	vor.u32 s2, v16;
	v35 =	vimm.s32 $0x0;
	v26 =	vsel vm5, v22, v26  }
0x40: {  	[tilespmem:$0x1FF60] =	vst v24;
	v24 =	vsel vm4, $0xFFFFFFFF, v61;
	v22 =	vsel vm5, v62, v22;
	vm4 =	vgt.f32 v32, v26  }
0x41: {  	v36 =	vld.idx.msk [tilespmem:v33+s2+$0x0], $0xffff;
	[tilespmem:$0x1FF90] =	vst v24;
	v24 =	vsel vm4, $0xFFFFFFFF, v35;
	v26 =	vsel vm4, v32, v26;
	vm4 =	vgt.f32 v32, v22  }
0x42: {  	v26 =	vsel vm4, v22, v26  }
0x43: {  	v37 =	vor.u32 s2, v17;
	v22 =	vsel vm4, v32, v22;
	vm13 =	vgt.f32 v23, v26  }
0x44: {  	v38 =	vimm.s32 $0x0;
	vm3 =	vgt.f32 v23, v22;
	v26 =	vsel vm13, v23, v26  }
0x45: {  	v40 =	vor.u32 s2, v18;
	v39 =	vld.idx.msk [tilespmem:v34+s2+$0x0], $0xffff;
	[tilespmem:$0x1FFA0] =	vst v25;
	v25 =	vsel vm13, $0xFFFFFFFF, v38;
	v26 =	vsel vm3, v22, v26  }
0x46: {  	v22 =	vsel vm3, v23, v22;
	v23 =	vimm.s32 $0x0;
	vm13 =	vgt.f32 v36, v26  }
0x47: {  	v23 =	vsel vm13, $0xFFFFFFFF, v23  }
0x48: {  	vm2 =	vgt.f32 v36, v22;
	v26 =	vsel vm13, v36, v26;
	[tilespmem:$0x1FFE0] =	vst v23;
	v23 =	vld.idx.msk [tilespmem:v37+s2+$0x0], $0xffff  }
0x49: {  	v41 =	vor.u32 s2, v19;
	v26 =	vsel vm2, v22, v26  }
0x4a: {  	v29 =	vld [tilespmem:$0x1FF50];
	v22 =	vsel vm2, v36, v22;
	vm13 =	vgt.f32 v39, v26  }
0x4b: {  	v42 =	vimm.s32 $0x0;
	v43 =	vld.idx.msk [tilespmem:v40+s2+$0x0], $0xffff;
	vm1 =	vgt.f32 v39, v22;
	v26 =	vsel vm13, v39, v26  }
0x4c: {  	v46 =	vsel vm12, $0x1, v4;
	vm15 =	vmand vm15, vm10;
	v26 =	vsel vm1, v22, v26  }
0x4d: {  	v48 =	vld [tilespmem:$0x1FF60];
	[tilespmem:$0x1FFC0] =	vst v24;
	v24 =	vsel vm13, $0xFFFFFFFF, v42;
	v22 =	vsel vm1, v39, v22;
	vm13 =	vgt.f32 v23, v26  }
0x4e: {  	v44 =	vld.idx.msk [tilespmem:v41+s2+$0x0], $0xffff;
	v45 =	vsel vm15, $0x1, v4;
	vm10 =	vgt.f32 v23, v22;
	v26 =	vsel vm13, v23, v26  }
0x4f: {  	v47 =	vsel vm9, $0x2, v46;
	vm12 =	vnez.u8 v29;
	v26 =	vsel vm10, v22, v26  }
0x50: {  	v27 =	vsel vm12, $0x2, v45;
	v50 =	vld [tilespmem:$0x1FF70];
	v22 =	vsel vm10, v23, v22;
	vm12 =	vgt.f32 v43, v26  }
0x51: {  	v49 =	vsel vm7, $0x3, v47;
	vm0 =	vgt.f32 v43, v22;
	v26 =	vsel vm12, v43, v26  }
0x52: {  	vm15 =	vnez.u8 v48;
	v51 =	vld [tilespmem:$0x1FF80];
	v23 =	vsel vm9, v46, v27;
	v26 =	vsel vm0, v22, v26  }
0x53: {  	v23 =	vsel vm15, $0x3, v23;
	v22 =	vsel vm0, v43, v22;
	vm9 =	vgt.f32 v44, v26  }
0x54: {  	v52 =	vld [tilespmem:$0x1FF90];
	v23 =	vsel vm7, v47, v23;
	vm7 =	vgt.f32 v44, v22;
	v26 =	vsel vm9, v44, v26  }
0x55: {  	vm15 =	vnez.u8 v50;
	v26 =	vsel vm7, v22, v26;
	v22 =	vsel vm7, v44, v22  }
0x56: {  	v53 =	vld [tilespmem:$0x1FFA0];
	v23 =	vsel vm15, $0x4, v23;
	v22 =	vsub.f32 v26, v22  }
0x57: {  	vm15 =	vnez.u8 v51;
	v23 =	vsel vm8, v49, v23  }
0x58: {  	v54 =	vld [tilespmem:$0x1FFB0];
	[tilespmem:$0x1FFF0] =	vst v24;
	v24 =	vsel vm8, $0x4, v49;
	v23 =	vsel vm15, $0x5, v23;
	v22 =	vmul.f32 $1.442695020e+00, v22  }
0x59: {  	vm15 =	vnez.u8 v52;
	v23 =	vsel vm6, v24, v23  }
0x5a: {  	v55 =	vld [tilespmem:$0x1FFC0];
	v24 =	vsel vm6, $0x5, v24;
	v23 =	vsel vm15, $0x6, v23;
	(erf) = vpow2.f32 v22  }
0x5b: {  	[tilespmem:$0x1FFD0] =	vst v25;
	v22 =	vsel vm11, v24, v23;
	v23 =	vsel vm11, $0x6, v24;
	vm11 =	vnez.u8 v53  }
0x5c: {  	v56 =	vld [tilespmem:$0x1FFD0];
	v22 =	vsel vm11, $0x7, v22  }
0x5d: {  	vm15 =	vnez.u8 v54;
	v22 =	vsel vm14, v23, v22  }
0x5e: {  	v57 =	vld [tilespmem:$0x1FFE0];
	v23 =	vsel vm14, $0x7, v23;
	v22 =	vsel vm15, $0x8, v22  }
0x5f: {  	vm8 =	vnez.u8 v55;
	v22 =	vsel vm5, v23, v22  }
0x60: {  	v60 =	vld [tilespmem:$0x1FFF0];
	v23 =	vsel vm5, $0x8, v23;
	v22 =	vsel vm8, $0x9, v22  }
0x61: {  	vm11 =	vnez.u8 v56;
	v22 =	vsel vm4, v23, v22  }
0x62: {  	v23 =	vsel vm4, $0x9, v23;
	v22 =	vsel vm11, $0xA, v22  }
0x63: {  	vm14 =	vnez.u8 v57;
	v22 =	vsel vm3, v23, v22  }
0x64: {  	v23 =	vsel vm3, $0xA, v23;
	v22 =	vsel vm14, $0xB, v22;
	v58 =	vpop (erf)  }
0x65: {  	vm15 =	vnez.u8 v60;
	v22 =	vsel vm2, v23, v22;
	v59 =	vadd.f32 $1.000000000e+00, v58  }
0x66: {  	v23 =	vsel vm2, $0xB, v23;
	v22 =	vsel vm15, $0xC, v22  }
0x67: {  	v22 =	vsel vm1, v23, v22;
	(erf) = vrcp.f32 v59  }
0x68: {  	v23 =	vsel vm1, $0xC, v23;
	v22 =	vsel vm13, $0xD, v22  }
0x69: {  	v22 =	vsel vm10, v23, v22  }
0x6a: {  	v23 =	vsel vm10, $0xD, v23;
	v22 =	vsel vm12, $0xE, v22  }
0x6b: {  	v22 =	vsel vm0, v23, v22;
	v23 =	vsel vm0, $0xE, v23  }
0x6c: {  	v22 =	vsel vm9, $0xF, v22;
	v61 =	vsel vm7, $0xF, v23  }
0x6d: {  	v23 =	vsel vm7, v23, v22;
	v22 =	vadd.s32 v21, v61  }
0x6e: {  	v21 =	vadd.s32 v21, v23;
	_ =	sdelay $0x1  }
0x6f: {  	v63 =	vpop (erf)  }
0x70: {  	v24 =	vmul.f32 v63, v58  }
0x71: {  	v62 =	vor.u32 s2, v14;
	[tilespmem:v22+s8+$0x0] =	vst.idx.msk $0xffff, v63  }
0x72: {  	[tilespmem:v21+s8+$0x0] =	vst.idx.msk $0xffff, v24;
	v21 =	vor.u32 s2, v20;
	_ =	sdelay $0x3  }
0x73: {  	s12 =	simm.s32 $0x100;
	s13 =	simm.s32 $0x0;
	[tilespmem:v62+s9+$0x0] =	vst.idx.msk $0xffff, v61  }
.LBB2_2:
0x74: {  	p0 =	sne.s32 s12, $0x700;
	[tilespmem:v21+s9+$0x0] =	vst.idx.msk $0xffff, v23;
	s13 =	sadd.s32 $0x20, s13;
	s11 =	sadd.s32 $0x100, s11  }
0x75: {  	s14 =	smov.u32 s12;
	s12 =	sadd.s32 $0x100, s12;
	[tilespmem:s11+$0x70] =	vst v1  }
0x76: {  	[tilespmem:s11+$0x60] =	vst v1  }
0x77: {  	[tilespmem:s11+$0x50] =	vst v1  }
0x78: {  	[tilespmem:s11+$0x40] =	vst v1  }
0x79: {  	[tilespmem:s11+$0x30] =	vst v1  }
0x7a: {  	[tilespmem:s11+$0x20] =	vst v1  }
0x7b: {  	[tilespmem:s11+$0x10] =	vst v1  }
0x7c: {  	[tilespmem:s11+$0x0] =	vst v1  }
0x7d: {  	[tilespmem:s11+$0xFFFFFFF0] =	vst v1  }
0x7e: {  	[tilespmem:s11+$0xFFFFFFE0] =	vst v1  }
0x7f: {  	v21 =	vor.u32 s14, v0;
	[tilespmem:s11+$0xFFFFFFD0] =	vst v1  }
0x80: {  	v22 =	vand.u32 v2, v21;
	[tilespmem:s11+$0xFFFFFFC0] =	vst v1  }
0x81: {  	v23 =	vor.u32 s14, v3;
	[tilespmem:s11+$0xFFFFFFB0] =	vst v1  }
0x82: {  	v24 =	vor.u32 s14, v6;
	[tilespmem:s11+$0xFFFFFFA0] =	vst v1  }
0x83: {  	v25 =	vor.u32 s14, v5;
	[tilespmem:s11+$0xFFFFFF90] =	vst v1  }
0x84: {  	v26 =	vor.u32 s14, v7;
	[tilespmem:s11+$0xFFFFFF80] =	vst v1  }
0x85: {  	v27 =	vor.u32 s14, v8;
	v22 =	vld.idx.msk [tilespmem:v22+s2+$0x0], $0xffff  }
0x86: {  	v28 =	vor.u32 s14, v10;
	v23 =	vld.idx.msk [tilespmem:v23+s2+$0x0], $0xffff  }
0x87: {  	v29 =	vor.u32 s14, v11;
	v24 =	vld.idx.msk [tilespmem:v24+s2+$0x0], $0xffff  }
0x88: {  	v30 =	vor.u32 s14, v9;
	v25 =	vld.idx.msk [tilespmem:v25+s2+$0x0], $0xffff  }
0x89: {  	v31 =	vor.u32 s14, v12;
	v26 =	vld.idx.msk [tilespmem:v26+s2+$0x0], $0xffff  }
0x8a: {  	v32 =	vor.u32 s14, v13;
	v33 =	vor.u32 s14, v19;
	v27 =	vld.idx.msk [tilespmem:v27+s2+$0x0], $0xffff  }
0x8b: {  	v34 =	vor.u32 s14, v15;
	v35 =	vor.u32 s14, v16;
	vm0 =	vgt.f32 v22, $-Inf;
	v28 =	vld.idx.msk [tilespmem:v28+s2+$0x0], $0xffff  }
0x8c: {  	v22 =	vnsel vm0, $0xFF800000, v22;
	vm0 =	vlt.f32 v23, $-Inf;
	vm1 =	vgt.f32 v23, $-Inf;
	v29 =	vld.idx.msk [tilespmem:v29+s2+$0x0], $0xffff  }
0x8d: {  	v36 =	vor.u32 s14, v17;
	vm2 =	vgt.f32 v23, v22;
	vm0 =	vmor vm1, vm0;
	v30 =	vld.idx.msk [tilespmem:v30+s2+$0x0], $0xffff  }
0x8e: {  	v38 =	vor.u32 s14, v18;
	vm1 =	vmneg vm2;
	v37 =	vnsel vm0, $0xFF800000, v23;
	v31 =	vld.idx.msk [tilespmem:v31+s2+$0x0], $0xffff  }
0x8f: {  	vm0 =	vmand vm0, vm1;
	v37 =	vsel vm1, v37, v22;
	v22 =	vsel vm1, v22, v23;
	v32 =	vld.idx.msk [tilespmem:v32+s2+$0x0], $0xffff  }
0x90: {  	v39 =	vsel vm2, $0x1, v4;
	v23 =	vsel vm0, $0x1, v4;
	vm0 =	vgt.f32 v25, v37;
	v34 =	vld.idx.msk [tilespmem:v34+s2+$0x0], $0xffff  }
0x91: {  	vm1 =	vgt.f32 v25, v22;
	v23 =	vsel vm0, $0x2, v23;
	v37 =	vsel vm0, v25, v37;
	v35 =	vld.idx.msk [tilespmem:v35+s2+$0x0], $0xffff  }
0x92: {  	v25 =	vsel vm1, v25, v22;
	v40 =	vsel vm1, v39, v23;
	v37 =	vsel vm1, v22, v37;
	v36 =	vld.idx.msk [tilespmem:v36+s2+$0x0], $0xffff  }
0x93: {  	v39 =	vsel vm1, $0x2, v39;
	vm0 =	vgt.f32 v24, v37;
	v23 =	vld.idx.msk [tilespmem:v38+s2+$0x0], $0xffff  }
0x94: {  	vm1 =	vgt.f32 v24, v25;
	v38 =	vsel vm0, $0x3, v40;
	v37 =	vsel vm0, v24, v37;
	v22 =	vld.idx.msk [tilespmem:v33+s2+$0x0], $0xffff  }
0x95: {  	v33 =	vsel vm1, v39, v38;
	v37 =	vsel vm1, v25, v37  }
0x96: {  	v24 =	vsel vm1, v24, v25;
	vm0 =	vgt.f32 v26, v37  }
0x97: {  	v25 =	vsel vm1, $0x3, v39;
	vm1 =	vgt.f32 v26, v24;
	v37 =	vsel vm0, v26, v37  }
0x98: {  	v38 =	vsel vm1, $0x4, v25;
	v33 =	vsel vm0, $0x4, v33;
	v37 =	vsel vm1, v24, v37  }
0x99: {  	v25 =	vsel vm1, v25, v33;
	v24 =	vsel vm1, v26, v24;
	vm0 =	vgt.f32 v27, v37  }
0x9a: {  	vm1 =	vgt.f32 v27, v24;
	v25 =	vsel vm0, $0x5, v25;
	v26 =	vsel vm0, v27, v37  }
0x9b: {  	v33 =	vsel vm1, $0x5, v38;
	v25 =	vsel vm1, v38, v25;
	v26 =	vsel vm1, v24, v26  }
0x9c: {  	v24 =	vsel vm1, v27, v24;
	vm0 =	vgt.f32 v30, v26  }
0x9d: {  	vm1 =	vgt.f32 v30, v24;
	v25 =	vsel vm0, $0x6, v25;
	v26 =	vsel vm0, v30, v26  }
0x9e: {  	v27 =	vsel vm1, $0x6, v33;
	v25 =	vsel vm1, v33, v25;
	v26 =	vsel vm1, v24, v26  }
0x9f: {  	v24 =	vsel vm1, v30, v24;
	vm0 =	vgt.f32 v28, v26  }
0xa0: {  	vm1 =	vgt.f32 v28, v24;
	v25 =	vsel vm0, $0x7, v25;
	v26 =	vsel vm0, v28, v26  }
0xa1: {  	v25 =	vsel vm1, v27, v25;
	v26 =	vsel vm1, v24, v26;
	v24 =	vsel vm1, v28, v24  }
0xa2: {  	v27 =	vsel vm1, $0x7, v27;
	vm0 =	vgt.f32 v29, v26  }
0xa3: {  	vm1 =	vgt.f32 v29, v24;
	v25 =	vsel vm0, $0x8, v25;
	v26 =	vsel vm0, v29, v26  }
0xa4: {  	v25 =	vsel vm1, v27, v25;
	v26 =	vsel vm1, v24, v26  }
0xa5: {  	v24 =	vsel vm1, v29, v24;
	vm0 =	vgt.f32 v31, v26  }
0xa6: {  	v27 =	vsel vm1, $0x8, v27;
	vm1 =	vgt.f32 v31, v24;
	v26 =	vsel vm0, v31, v26  }
0xa7: {  	v25 =	vsel vm0, $0x9, v25;
	v28 =	vsel vm1, $0x9, v27;
	v26 =	vsel vm1, v24, v26  }
0xa8: {  	v25 =	vsel vm1, v27, v25;
	v24 =	vsel vm1, v31, v24;
	vm0 =	vgt.f32 v32, v26  }
0xa9: {  	vm1 =	vgt.f32 v32, v24;
	v25 =	vsel vm0, $0xA, v25;
	v26 =	vsel vm0, v32, v26  }
0xaa: {  	v25 =	vsel vm1, v28, v25;
	v26 =	vsel vm1, v24, v26  }
0xab: {  	v27 =	vsel vm1, $0xA, v28;
	v24 =	vsel vm1, v32, v24;
	vm0 =	vgt.f32 v34, v26  }
0xac: {  	vm1 =	vgt.f32 v34, v24;
	v25 =	vsel vm0, $0xB, v25;
	v26 =	vsel vm0, v34, v26  }
0xad: {  	v25 =	vsel vm1, v27, v25;
	v26 =	vsel vm1, v24, v26  }
0xae: {  	v27 =	vsel vm1, $0xB, v27;
	v24 =	vsel vm1, v34, v24;
	vm0 =	vgt.f32 v35, v26  }
0xaf: {  	vm1 =	vgt.f32 v35, v24;
	v25 =	vsel vm0, $0xC, v25;
	v26 =	vsel vm0, v35, v26  }
0xb0: {  	v25 =	vsel vm1, v27, v25;
	v26 =	vsel vm1, v24, v26  }
0xb1: {  	v27 =	vsel vm1, $0xC, v27;
	v24 =	vsel vm1, v35, v24;
	vm0 =	vgt.f32 v36, v26  }
0xb2: {  	vm1 =	vgt.f32 v36, v24;
	v25 =	vsel vm0, $0xD, v25;
	v26 =	vsel vm0, v36, v26  }
0xb3: {  	v25 =	vsel vm1, v27, v25;
	v26 =	vsel vm1, v24, v26  }
0xb4: {  	v27 =	vsel vm1, $0xD, v27;
	v24 =	vsel vm1, v36, v24;
	vm0 =	vgt.f32 v23, v26  }
0xb5: {  	vm1 =	vgt.f32 v23, v24;
	v25 =	vsel vm0, $0xE, v25;
	v26 =	vsel vm0, v23, v26  }
0xb6: {  	v25 =	vsel vm1, v27, v25;
	v26 =	vsel vm1, v24, v26  }
0xb7: {  	v27 =	vsel vm1, $0xE, v27;
	v24 =	vsel vm1, v23, v24;
	vm1 =	vgt.f32 v22, v26  }
0xb8: {  	vm0 =	vgt.f32 v22, v24;
	v23 =	vsel vm1, $0xF, v25;
	v25 =	vsel vm1, v22, v26  }
0xb9: {  	v22 =	vsel vm0, v22, v24;
	v23 =	vsel vm0, v27, v23;
	v25 =	vsel vm0, v24, v25  }
0xba: {  	v22 =	vsub.f32 v25, v22;
	v24 =	vadd.s32 v21, v23;
	_ =	sdelay $0x1  }
0xbb: {  	v22 =	vmul.f32 $1.442695020e+00, v22;
	_ =	sdelay $0x1  }
0xbc: {  	(erf) = vpow2.f32 v22;
	_ =	sdelay $0x8  }
0xbd: {  	v22 =	vpop (erf)  }
0xbe: {  	v25 =	vadd.f32 $1.000000000e+00, v22;
	_ =	sdelay $0x1  }
0xbf: {  	(erf) = vrcp.f32 v25;
	_ =	sdelay $0x4  }
0xc0: {  	v25 =	vsel vm0, $0xF, v27  }
0xc1: {  	v26 =	vadd.s32 v21, v25;
	_ =	sdelay $0x1  }
0xc2: {  	v27 =	vor.u32 s13, v14  }
.Ltmp0:
0xc3: {  	v21 =	vor.u32 s13, v20;
	v28 =	vpop (erf);
	(pc) =	sbr.rel @p0 .LBB2_2-.Ltmp0, $4  }
0xc4: {  	v22 =	vmul.f32 v28, v22  }
0xc5: {  	[tilespmem:v26+s8+$0x0] =	vst.idx.msk $0xffff, v28  }
0xc6: {  	[tilespmem:v24+s8+$0x0] =	vst.idx.msk $0xffff, v22  }
0xc7: {  	[tilespmem:v27+s9+$0x0] =	vst.idx.msk $0xffff, v25  }
0xc8: {  	_ =	sdelay $0x3  }
0xc9: {  	[tilespmem:v21+s9+$0x0] =	vst.idx.msk $0xffff, v23  }
0xca: {  	[hbm4b:s4+s2] =	stream.linear.scatter [tilespmem:s8], [sflag:$0x1], $0x800, $0x38;
	[tilespmem:$0x1100] =	vst v63  }
0xcb: {  	s10 =	sadd.s32 $0x1, s10;
	_ =	swait.ge [sflag:s7], $0x800  }
0xcc: {  	p0 =	sne.s32 s10, s6;
	[sflag:s7] =	ssyncset.done $0x0  }
.Ltmp1:
0xcd: {  	[sflag:s7] =	ssyncadd.s32 $0xFFFFF800;
	(pc) =	sbr.rel @p0 .LBB2_1-.Ltmp1, $4  }
0xce: {  	[hbm4b:s5+s2] =	stream.linear.scatter [tilespmem:s9], [sflag:$0x1], $0x100, $0x38;
	[tilespmem:$0x1100] =	vst v63  }
0xcf: {  	_ =	swait.ge [sflag:s7], $0x100  }
0xd0: {  	[sflag:s7] =	ssyncset.done $0x0  }
0xd1: {  	[sflag:s7] =	ssyncadd.s32 $0xFFFFFF00  }
0xd2: {  	_ =	sfence.sel $0x180000  }
0xd3: {  	[bflag:$0x0] =	sbarrier.arrive $0xFFFF  }
0xd4: {  	p0 =	sne.s32 s1, $0x0;
	_ =	strace $0x90000047  }
0xd5: {  	s0 =	sadd.s32 @!p0 $0x100000, s0;
	[bflag:$0x2] =	sbarrier.arrive $0xFFFF  }
0xd6: {  	[sflag:s0] =	ssyncadd.tile.s32 @!p0 $0x1;
	_ =	shalt  }
.Lfunc_end2:
_tile_overlayer_lowered:
.L_overlay_start_2:
0xd7: {  	(tag) =	ssettag $0x2  }
0xd8: {  	s0 =	rddreg [dreg:$0x0];
	s2 =	stileid.u32  }
0xd9: {  	s1 =	rddreg [dreg:$0x1];
	p0 =	sne.s32 s2, $0x0  }
0xda: {  	s3 =	rddreg [dreg:$0x2];
	[bflag:$0x3] =	sbarrier.arrive $0xFFFF;
	s2 =	simm.s32 @!p0 $0x1C01  }
0xdb: {  	[timem:s3], [sflag:s2] =	dma.local @!p0 [hbm:s0], s1  }
0xdc: {  	s0 =	simm.s32 @!p0 $0x1  }
0xdd: {  	_ =	swait.ge @!p0 [sflag:s0], s1  }
0xde: {  	s1 =	ssub.s32 @!p0 $0x0, s1;
	[sflag:s0] =	ssyncset.done @!p0 $0x0  }
0xdf: {  	[sflag:s0] =	ssyncadd.s32 @!p0 s1  }
0xe0: {  	[bflag:$0x3] =	sbarrier.arrive $0xFFFF  }
0xe1: {  	_ =	shalt  }

</sc_bundles>
